<compile_context>
chip_gen: v7x
topology: tpu7x:2x2x1
jax: 0.10.2.dev20260603
libtpu: 0.0.44.dev20260713+nightly
codegen_flags: <defaults>
</compile_context>

<pallas_src>
import functools

import jax
import jax.numpy as jnp
from jax import lax
from jax.experimental import pallas as pl
from jax.experimental.pallas import tpu as pltpu
from jax.experimental.pallas import tpu_sc as plsc

N = 4096
D = 2048
DFF = 3072
E = 8
BM = 256
PMAX = N * 2 + E * BM
NBLK = PMAX // BM
NW = 32
TPW = N // NW
SCH = 16
GCH = 8
ALPHA = 0.02


def _gelu_tanh(v):
    return 0.5 * v * (1.0 + jnp.tanh(jnp.sqrt(2.0 / jnp.pi) * (v + 0.044715 * v ** 3)))



def _routing_body(x_ref, wr_ref, pos_ref, gate_ref, ebm_ref, nact_ref, aux_ref):
    x = x_ref[...]
    wr = wr_ref[...]
    logits = lax.dot_general(x, wr, (((1,), (1,)), ((), ())),
                             preferred_element_type=jnp.float32)

    lane = lax.broadcasted_iota(jnp.int32, (N, E), 1).astype(jnp.float32)
    m1 = jnp.max(logits, axis=1, keepdims=True)
    i1 = jnp.min(jnp.where(logits == m1, lane, jnp.float32(E)), axis=1,
                 keepdims=True)
    oh0 = lane == i1
    masked = jnp.where(oh0, -jnp.inf, logits)
    m2 = jnp.max(masked, axis=1, keepdims=True)
    i2 = jnp.min(jnp.where(masked == m2, lane, jnp.float32(E)), axis=1,
                 keepdims=True)
    oh1 = lane == i2

    e2 = jnp.exp(m2 - m1)
    den = 1.0 + e2
    g1 = 1.0 / den
    g2 = e2 / den

    oh0f = oh0.astype(jnp.float32)
    oh1f = oh1.astype(jnp.float32)
    cnt0 = jnp.sum(oh0f, axis=0, keepdims=True)
    cnt1 = jnp.sum(oh1f, axis=0, keepdims=True)
    cnt_all = cnt0 + cnt1

    both = jnp.concatenate([oh0f, oh1f], axis=1)
    c = both
    sh = 1
    while sh < N:
        c = c + jnp.concatenate(
            [jnp.zeros((sh, 2 * E), jnp.float32), c[: N - sh, :]], axis=0)
        sh *= 2
    excl = c - both
    r0 = excl[:, :E]
    r1 = excl[:, E:]
    rank0 = jnp.sum(oh0f * r0, axis=1, keepdims=True)
    rank1 = jnp.sum(oh1f * r1, axis=1, keepdims=True)

    nb = (cnt_all.astype(jnp.int32) + (BM - 1)) // BM
    nbf = nb.astype(jnp.float32)
    ob = nbf
    s = 1
    while s < E:
        ob = ob + jnp.concatenate(
            [jnp.zeros((1, s), jnp.float32), ob[:, : E - s]], axis=1)
        s *= 2
    off_blocks = ob - nbf
    off = off_blocks * float(BM)

    pos0 = jnp.sum(oh0f * off, axis=1, keepdims=True) + rank0
    pos1 = jnp.sum(oh1f * (off + cnt0), axis=1, keepdims=True) + rank1
    pos_ref[...] = jnp.concatenate([pos0, pos1], axis=1).astype(jnp.int32)
    gate_ref[...] = jnp.concatenate([g1, g2], axis=1)

    jidx = lax.broadcasted_iota(jnp.int32, (128, E), 0).astype(jnp.float32)
    cmp = (jidx >= off_blocks).astype(jnp.float32)
    ebm_ref[...] = (jnp.sum(cmp, axis=1, keepdims=True) - 1.0).astype(jnp.int32)
    nact_ref[...] = jnp.reshape(jnp.sum(nbf), (1, 1)).astype(jnp.int32)

    gpos0 = (g1 > 0).astype(jnp.float32)
    gpos1 = (g2 > 0).astype(jnp.float32)
    cnt_aux = (jnp.sum(oh0f * gpos0, axis=0, keepdims=True)
               + jnp.sum(oh1f * gpos1, axis=0, keepdims=True))
    gsum = jnp.sum(oh0f * g1 + oh1f * g2, axis=0, keepdims=True)
    f_i = cnt_aux / jnp.sum(cnt_aux)
    m_i = gsum / jnp.maximum(cnt_aux, 1.0)
    aux_ref[...] = jnp.reshape(ALPHA * (jnp.sum(f_i * m_i) / float(E)), (1, 1))


def _routing(x_flat, Wr):
    return pl.pallas_call(
        _routing_body,
        out_shape=[
            jax.ShapeDtypeStruct((N, 2), jnp.int32),
            jax.ShapeDtypeStruct((N, 2), jnp.float32),
            jax.ShapeDtypeStruct((128, 1), jnp.int32),
            jax.ShapeDtypeStruct((1, 1), jnp.int32),
            jax.ShapeDtypeStruct((1, 1), jnp.float32),
        ],
        compiler_params=pltpu.CompilerParams(
            vmem_limit_bytes=100 * 1024 * 1024),
    )(x_flat, Wr)



@functools.cache
def _sc_mesh():
    return plsc.VectorSubcoreMesh(core_axis_name="c", subcore_axis_name="s")


def _scatter(x_flat, p0r, p1r):
    nch = TPW // SCH

    @functools.partial(
        pl.kernel,
        mesh=_sc_mesh(),
        out_type=jax.ShapeDtypeStruct((PMAX, D), jnp.float32),
        scratch_types=[
            pltpu.VMEM((SCH, D), jnp.float32),
            pltpu.VMEM((SCH, D), jnp.float32),
            pltpu.VMEM((nch, SCH), jnp.int32),
            pltpu.VMEM((nch, SCH), jnp.int32),
            pltpu.SemaphoreType.DMA,
            pltpu.SemaphoreType.DMA,
            pltpu.SemaphoreType.DMA,
            pltpu.SemaphoreType.DMA,
        ],
    )
    def k(x_hbm, p0_hbm, p1_hbm, xg_hbm, rA, rB, i0, i1, lsA, lsB, ssA, ssB):
        wid = lax.axis_index("s") * 2 + lax.axis_index("c")
        base = wid * TPW
        pltpu.sync_copy(p0_hbm.at[wid], i0)
        pltpu.sync_copy(p1_hbm.at[wid], i1)

        @pl.loop(0, nch, step=2)
        def _(c):
            ldA = pltpu.async_copy(
                x_hbm.at[pl.ds(base + c * SCH, SCH)], rA, lsA)
            ldB = pltpu.async_copy(
                x_hbm.at[pl.ds(base + (c + 1) * SCH, SCH)], rB, lsB)
            ldA.wait()
            sA0 = pltpu.async_copy(rA, xg_hbm.at[i0.at[c]], ssA)
            sA1 = pltpu.async_copy(rA, xg_hbm.at[i1.at[c]], ssA)
            ldB.wait()
            sB0 = pltpu.async_copy(rB, xg_hbm.at[i0.at[c + 1]], ssB)
            sB1 = pltpu.async_copy(rB, xg_hbm.at[i1.at[c + 1]], ssB)
            sA0.wait()
            sA1.wait()
            sB0.wait()
            sB1.wait()

    return k(x_flat, p0r, p1r)



def _l1_body(ebm_ref, nact_ref, xg_ref, w1_ref, b1_ref, h_ref):
    del ebm_ref

    @pl.when(pl.program_id(0) < nact_ref[0])
    def _():
        acc = lax.dot_general(xg_ref[...], w1_ref[0], (((1,), (1,)), ((), ())),
                              preferred_element_type=jnp.float32)
        h_ref[...] = _gelu_tanh(acc + b1_ref[0])


def _l1(ebm, nact, xg, W1, b1r):
    return pl.pallas_call(
        _l1_body,
        grid_spec=pltpu.PrefetchScalarGridSpec(
            num_scalar_prefetch=2,
            grid=(NBLK,),
            in_specs=[
                pl.BlockSpec((BM, D), lambda i, ebm, nact: (i, 0)),
                pl.BlockSpec((1, DFF, D), lambda i, ebm, nact: (ebm[i], 0, 0)),
                pl.BlockSpec((1, 1, DFF), lambda i, ebm, nact: (ebm[i], 0, 0)),
            ],
            out_specs=pl.BlockSpec((BM, DFF), lambda i, ebm, nact: (i, 0)),
        ),
        out_shape=jax.ShapeDtypeStruct((PMAX, DFF), jnp.float32),
        compiler_params=pltpu.CompilerParams(
            vmem_limit_bytes=100 * 1024 * 1024),
    )(ebm, nact, xg, W1, b1r)


def _l2_body(ebm_ref, nact_ref, h_ref, w2_ref, b2_ref, og_ref):
    del ebm_ref

    @pl.when(pl.program_id(0) < nact_ref[0])
    def _():
        acc = lax.dot_general(h_ref[...], w2_ref[0], (((1,), (1,)), ((), ())),
                              preferred_element_type=jnp.float32)
        og_ref[...] = acc + b2_ref[0]


def _l2(ebm, nact, h, W2, b2r):
    return pl.pallas_call(
        _l2_body,
        grid_spec=pltpu.PrefetchScalarGridSpec(
            num_scalar_prefetch=2,
            grid=(NBLK,),
            in_specs=[
                pl.BlockSpec((BM, DFF), lambda i, ebm, nact: (i, 0)),
                pl.BlockSpec((1, D, DFF), lambda i, ebm, nact: (ebm[i], 0, 0)),
                pl.BlockSpec((1, 1, D), lambda i, ebm, nact: (ebm[i], 0, 0)),
            ],
            out_specs=pl.BlockSpec((BM, D), lambda i, ebm, nact: (i, 0)),
        ),
        out_shape=jax.ShapeDtypeStruct((PMAX, D), jnp.float32),
        compiler_params=pltpu.CompilerParams(
            vmem_limit_bytes=100 * 1024 * 1024),
    )(ebm, nact, h, W2, b2r)



def _gather(og, p0r, p1r):
    nch = TPW // GCH

    @functools.partial(
        pl.kernel,
        mesh=_sc_mesh(),
        out_type=[
            jax.ShapeDtypeStruct((N, D), jnp.float32),
            jax.ShapeDtypeStruct((N, D), jnp.float32),
        ],
        scratch_types=[
            pltpu.VMEM((GCH, D), jnp.float32),
            pltpu.VMEM((GCH, D), jnp.float32),
            pltpu.VMEM((GCH, D), jnp.float32),
            pltpu.VMEM((GCH, D), jnp.float32),
            pltpu.VMEM((nch, GCH), jnp.int32),
            pltpu.VMEM((nch, GCH), jnp.int32),
            pltpu.SemaphoreType.DMA,
            pltpu.SemaphoreType.DMA,
            pltpu.SemaphoreType.DMA,
            pltpu.SemaphoreType.DMA,
        ],
    )
    def k(og_hbm, p0_hbm, p1_hbm, g0_hbm, g1_hbm,
          rA0, rA1, rB0, rB1, i0, i1, lsA, lsB, ssA, ssB):
        wid = lax.axis_index("s") * 2 + lax.axis_index("c")
        base = wid * TPW
        pltpu.sync_copy(p0_hbm.at[wid], i0)
        pltpu.sync_copy(p1_hbm.at[wid], i1)

        @pl.loop(0, nch, step=2)
        def _(c):
            gA0 = pltpu.async_copy(og_hbm.at[i0.at[c]], rA0, lsA)
            gA1 = pltpu.async_copy(og_hbm.at[i1.at[c]], rA1, lsA)
            gB0 = pltpu.async_copy(og_hbm.at[i0.at[c + 1]], rB0, lsB)
            gB1 = pltpu.async_copy(og_hbm.at[i1.at[c + 1]], rB1, lsB)
            gA0.wait()
            gA1.wait()
            oA = base + c * GCH
            sA0 = pltpu.async_copy(rA0, g0_hbm.at[pl.ds(oA, GCH)], ssA)
            sA1 = pltpu.async_copy(rA1, g1_hbm.at[pl.ds(oA, GCH)], ssA)
            gB0.wait()
            gB1.wait()
            oB = base + (c + 1) * GCH
            sB0 = pltpu.async_copy(rB0, g0_hbm.at[pl.ds(oB, GCH)], ssB)
            sB1 = pltpu.async_copy(rB1, g1_hbm.at[pl.ds(oB, GCH)], ssB)
            sA0.wait()
            sA1.wait()
            sB0.wait()
            sB1.wait()

    return k(og, p0r, p1r)



def _combine_body(g0_ref, g1_ref, gt_ref, o_ref):
    o_ref[...] = (g0_ref[...] * gt_ref[:, 0:1] + g1_ref[...] * gt_ref[:, 1:2])


def _combine(g0, g1, gates):
    CB = 512
    return pl.pallas_call(
        _combine_body,
        grid=(N // CB,),
        in_specs=[
            pl.BlockSpec((CB, D), lambda i: (i, 0)),
            pl.BlockSpec((CB, D), lambda i: (i, 0)),
            pl.BlockSpec((CB, 2), lambda i: (i, 0)),
        ],
        out_specs=pl.BlockSpec((CB, D), lambda i: (i, 0)),
        out_shape=jax.ShapeDtypeStruct((N, D), jnp.float32),
    )(g0, g1, gates)


def kernel(x, Wr, W1, b1, W2, b2):
    Bz, Tz, Dz = x.shape
    x_flat = x.reshape(N, D)
    pos, gates, ebm2, nact2, aux = _routing(x_flat, Wr)
    pos0 = pos[:, 0]
    pos1 = pos[:, 1]
    ebm = ebm2.reshape(128)
    nact = nact2.reshape(1)
    xg = _scatter(x_flat,
                  pos0.reshape(NW, TPW // SCH, SCH),
                  pos1.reshape(NW, TPW // SCH, SCH))
    h = _l1(ebm, nact, xg, W1, b1.reshape(E, 1, DFF))
    og = _l2(ebm, nact, h, W2, b2.reshape(E, 1, D))
    g0, g1 = _gather(og,
                     pos0.reshape(NW, TPW // GCH, GCH),
                     pos1.reshape(NW, TPW // GCH, GCH))
    out = _combine(g0, g1, gates)
    return out.reshape(Bz, Tz, Dz), aux.reshape(())

# --- scband reference (transcript-rebuilt; emitter-appended) ---
"""Pipeline reference for scband-mo-elayer-64450279244024 (READ-ONLY COPY).

The authoritative reference and input builder live on the scoring server;
editing this copy changes nothing except your own understanding.
"""

import jax, jax.numpy as jnp
import numpy as np

E = 8
K = 2
B = 2
T = 2048
D = 2048
DFF = 3072  # int(1.5 * d_model)
ALPHA = 0.02


def gelu_tanh(x):
    return 0.5 * x * (1.0 + jnp.tanh(jnp.sqrt(2.0 / jnp.pi) * (x + 0.044715 * x ** 3)))


def setup_inputs(seed: int = 0) -> dict:
    key = jax.random.key(seed)
    ks = jax.random.split(key, 6)
    x = jax.random.normal(ks[0], (B, T, D), dtype=jnp.float32)
    Wr = jax.random.normal(ks[1], (E, D), dtype=jnp.float32) * 0.02
    W1 = jax.random.normal(ks[2], (E, DFF, D), dtype=jnp.float32) * 0.02
    b1 = jnp.zeros((E, DFF), dtype=jnp.float32)
    W2 = jax.random.normal(ks[3], (E, D, DFF), dtype=jnp.float32) * 0.02
    b2 = jnp.zeros((E, D), dtype=jnp.float32)
    return {"x": x, "Wr": Wr, "W1": W1, "b1": b1, "W2": W2, "b2": b2}


def reference(x, Wr, W1, b1, W2, b2):
    Bz, Tz, Dz = x.shape
    N = Bz * Tz
    x_flat = x.reshape(N, Dz)
    router_logits = x_flat @ Wr.T                      # [N, E]
    logits, idx = jax.lax.top_k(router_logits, K)      # [N, K]
    gate = jax.nn.softmax(logits, axis=-1)             # [N, K]
    rows = jnp.arange(N)
    dispatch = jnp.zeros((N, E), dtype=x.dtype).at[rows[:, None], idx].set(gate)
    out = jnp.zeros_like(x_flat)
    for i in range(E):
        sel = dispatch[:, i]
        h = gelu_tanh(x_flat @ W1[i].T + b1[i])
        expert_out = h @ W2[i].T + b2[i]
        out = out + expert_out * sel[:, None]
    out = out.reshape(Bz, Tz, Dz)
    tok_per_expert = (dispatch > 0).sum(0).astype(jnp.float32)
    f_i = tok_per_expert / tok_per_expert.sum()
    m_i = dispatch.sum(0) / jnp.maximum(tok_per_expert, 1.0)
    aux_loss = ALPHA * (f_i * m_i).mean()
    return (out, aux_loss)

if __name__ == "__main__":
    import jax
    _d = setup_inputs()
    print(jax.jit(kernel)(*tuple(_d.values())))

</pallas_src>

<mosaic_0001>
#map = affine_map<(d0, d1) -> (0, 0)>
#map1 = affine_map<(d0, d1) -> (0, 0, 0)>
module attributes {stable_mosaic.version = 14 : i64} {
  func.func @k(%arg0: i32, %arg1: i32, %arg2: memref<4096x2048xf32, #tpu.memory_space<hbm>>, %arg3: memref<32x8x16xi32, #tpu.memory_space<hbm>>, %arg4: memref<32x8x16xi32, #tpu.memory_space<hbm>>, %arg5: memref<10240x2048xf32, #tpu.memory_space<hbm>>, %arg6: memref<16x2048xf32, #tpu.memory_space<vmem>>, %arg7: memref<16x2048xf32, #tpu.memory_space<vmem>>, %arg8: memref<8x16xi32, #tpu.memory_space<vmem>>, %arg9: memref<8x16xi32, #tpu.memory_space<vmem>>, %arg10: memref<!tpu.dma_semaphore, #tpu.memory_space<semaphore_mem>>, %arg11: memref<!tpu.dma_semaphore, #tpu.memory_space<semaphore_mem>>, %arg12: memref<!tpu.dma_semaphore, #tpu.memory_space<semaphore_mem>>, %arg13: memref<!tpu.dma_semaphore, #tpu.memory_space<semaphore_mem>>) attributes {dimension_semantics = [#tpu.dimension_semantics<core_parallel>, #tpu.dimension_semantics<subcore_parallel>], iteration_bounds = array<i64: 2, 16>, scalar_prefetch = 0 : i64, scratch_operands = 8 : i64, tpu.core_type = #tpu.core_type<sc_vector_subcore>, window_params = [{transform_indices = #map}, {transform_indices = #map1}, {transform_indices = #map1}, {transform_indices = #map}]} {
    %mul3A = arith.constant 2 : i32
    %mul3A_0 = arith.muli %arg1, %mul3A : i32
    %add3A = arith.addi %mul3A_0, %arg0 : i32
    %mul3A_1 = arith.constant 128 : i32
    %mul3A_2 = arith.muli %add3A, %mul3A_1 : i32
    "tpu.region"() ({
      %run_scoped3A = tpu.sem_alloc : memref<!tpu.dma_semaphore, #tpu.memory_space<semaphore_mem>>
      %dma_start3A = arith.constant 0 : i32
      %dma_start3A_7 = arith.constant 0 : i32
      %dma_start3A_8 = tpu.memref_slice %arg3[%add3A, %dma_start3A, %dma_start3A_7] : memref<32x8x16xi32, #tpu.memory_space<hbm>> -> memref<1x8x16xi32, #tpu.memory_space<hbm>>
      %dma_start3A_9 = tpu.memref_squeeze %dma_start3A_8 : memref<1x8x16xi32, #tpu.memory_space<hbm>> -> memref<8x16xi32, #tpu.memory_space<hbm>>
      %dma_start3A_10 = arith.constant 0 : i32
      %dma_start3A_11 = arith.constant 0 : i32
      %dma_start3A_12 = tpu.memref_slice %arg3[%add3A, %dma_start3A_10, %dma_start3A_11] : memref<32x8x16xi32, #tpu.memory_space<hbm>> -> memref<1x8x16xi32, #tpu.memory_space<hbm>>
      %dma_start3A_13 = tpu.memref_squeeze %dma_start3A_12 : memref<1x8x16xi32, #tpu.memory_space<hbm>> -> memref<8x16xi32, #tpu.memory_space<hbm>>
      tpu.enqueue_dma source(%dma_start3A_13 : memref<8x16xi32, #tpu.memory_space<hbm>>) target(%arg8 : memref<8x16xi32, #tpu.memory_space<vmem>>) target_semaphore(%run_scoped3A : memref<!tpu.dma_semaphore, #tpu.memory_space<semaphore_mem>>)
      %dma_wait3A = arith.constant 0 : i32
      %dma_wait3A_14 = arith.constant 0 : i32
      %dma_wait3A_15 = tpu.memref_slice %arg3[%add3A, %dma_wait3A, %dma_wait3A_14] : memref<32x8x16xi32, #tpu.memory_space<hbm>> -> memref<1x8x16xi32, #tpu.memory_space<hbm>>
      %dma_wait3A_16 = tpu.memref_squeeze %dma_wait3A_15 : memref<1x8x16xi32, #tpu.memory_space<hbm>> -> memref<8x16xi32, #tpu.memory_space<hbm>>
      %dma_wait3A_17 = arith.constant 0 : i32
      %dma_wait3A_18 = arith.constant 0 : i32
      %dma_wait3A_19 = tpu.memref_slice %arg3[%add3A, %dma_wait3A_17, %dma_wait3A_18] : memref<32x8x16xi32, #tpu.memory_space<hbm>> -> memref<1x8x16xi32, #tpu.memory_space<hbm>>
      %dma_wait3A_20 = tpu.memref_squeeze %dma_wait3A_19 : memref<1x8x16xi32, #tpu.memory_space<hbm>> -> memref<8x16xi32, #tpu.memory_space<hbm>>
      tpu.wait_dma2 semaphore(%run_scoped3A : memref<!tpu.dma_semaphore, #tpu.memory_space<semaphore_mem>>) src(%dma_wait3A_20 : memref<8x16xi32, #tpu.memory_space<hbm>>) dst(%arg8 : memref<8x16xi32, #tpu.memory_space<vmem>>)
      tpu.yield
    }) : () -> ()
    "tpu.region"() ({
      %run_scoped3A = tpu.sem_alloc : memref<!tpu.dma_semaphore, #tpu.memory_space<semaphore_mem>>
      %dma_start3A = arith.constant 0 : i32
      %dma_start3A_7 = arith.constant 0 : i32
      %dma_start3A_8 = tpu.memref_slice %arg4[%add3A, %dma_start3A, %dma_start3A_7] : memref<32x8x16xi32, #tpu.memory_space<hbm>> -> memref<1x8x16xi32, #tpu.memory_space<hbm>>
      %dma_start3A_9 = tpu.memref_squeeze %dma_start3A_8 : memref<1x8x16xi32, #tpu.memory_space<hbm>> -> memref<8x16xi32, #tpu.memory_space<hbm>>
      %dma_start3A_10 = arith.constant 0 : i32
      %dma_start3A_11 = arith.constant 0 : i32
      %dma_start3A_12 = tpu.memref_slice %arg4[%add3A, %dma_start3A_10, %dma_start3A_11] : memref<32x8x16xi32, #tpu.memory_space<hbm>> -> memref<1x8x16xi32, #tpu.memory_space<hbm>>
      %dma_start3A_13 = tpu.memref_squeeze %dma_start3A_12 : memref<1x8x16xi32, #tpu.memory_space<hbm>> -> memref<8x16xi32, #tpu.memory_space<hbm>>
      tpu.enqueue_dma source(%dma_start3A_13 : memref<8x16xi32, #tpu.memory_space<hbm>>) target(%arg9 : memref<8x16xi32, #tpu.memory_space<vmem>>) target_semaphore(%run_scoped3A : memref<!tpu.dma_semaphore, #tpu.memory_space<semaphore_mem>>)
      %dma_wait3A = arith.constant 0 : i32
      %dma_wait3A_14 = arith.constant 0 : i32
      %dma_wait3A_15 = tpu.memref_slice %arg4[%add3A, %dma_wait3A, %dma_wait3A_14] : memref<32x8x16xi32, #tpu.memory_space<hbm>> -> memref<1x8x16xi32, #tpu.memory_space<hbm>>
      %dma_wait3A_16 = tpu.memref_squeeze %dma_wait3A_15 : memref<1x8x16xi32, #tpu.memory_space<hbm>> -> memref<8x16xi32, #tpu.memory_space<hbm>>
      %dma_wait3A_17 = arith.constant 0 : i32
      %dma_wait3A_18 = arith.constant 0 : i32
      %dma_wait3A_19 = tpu.memref_slice %arg4[%add3A, %dma_wait3A_17, %dma_wait3A_18] : memref<32x8x16xi32, #tpu.memory_space<hbm>> -> memref<1x8x16xi32, #tpu.memory_space<hbm>>
      %dma_wait3A_20 = tpu.memref_squeeze %dma_wait3A_19 : memref<1x8x16xi32, #tpu.memory_space<hbm>> -> memref<8x16xi32, #tpu.memory_space<hbm>>
      tpu.wait_dma2 semaphore(%run_scoped3A : memref<!tpu.dma_semaphore, #tpu.memory_space<semaphore_mem>>) src(%dma_wait3A_20 : memref<8x16xi32, #tpu.memory_space<hbm>>) dst(%arg9 : memref<8x16xi32, #tpu.memory_space<vmem>>)
      tpu.yield
    }) : () -> ()
    %scan3A = arith.constant 0 : i32
    %scan3A_3 = arith.constant 4 : i32
    %scan3A_4 = arith.addi %scan3A, %scan3A_3 : i32
    %scan3A_5 = arith.constant 1 : i32
    scf.for %scan3A_7 = %scan3A to %scan3A_4 step %scan3A_5  : i32 {
      %mul3A_8 = arith.constant 2 : i32
      %mul3A_9 = arith.muli %scan3A_7, %mul3A_8 : i32
      %add3A_10 = arith.constant 0 : i32
      %add3A_11 = arith.addi %add3A_10, %mul3A_9 : i32
      %mul3A_12 = arith.constant 16 : i32
      %mul3A_13 = arith.muli %add3A_11, %mul3A_12 : i32
      %add3A_14 = arith.addi %mul3A_2, %mul3A_13 : i32
      %dma_start3A = arith.constant 0 : i32
      %dma_start3A_15 = tpu.memref_slice %arg2[%add3A_14, %dma_start3A] : memref<4096x2048xf32, #tpu.memory_space<hbm>> -> memref<16x2048xf32, #tpu.memory_space<hbm>>
      %dma_start3A_16 = arith.constant 0 : i32
      %dma_start3A_17 = tpu.memref_slice %arg2[%add3A_14, %dma_start3A_16] : memref<4096x2048xf32, #tpu.memory_space<hbm>> -> memref<16x2048xf32, #tpu.memory_space<hbm>>
      tpu.enqueue_dma source(%dma_start3A_17 : memref<16x2048xf32, #tpu.memory_space<hbm>>) target(%arg6 : memref<16x2048xf32, #tpu.memory_space<vmem>>) target_semaphore(%arg10 : memref<!tpu.dma_semaphore, #tpu.memory_space<semaphore_mem>>)
      %add3A_18 = arith.constant 1 : i32
      %add3A_19 = arith.addi %add3A_11, %add3A_18 : i32
      %mul3A_20 = arith.constant 16 : i32
      %mul3A_21 = arith.muli %add3A_19, %mul3A_20 : i32
      %add3A_22 = arith.addi %mul3A_2, %mul3A_21 : i32
      %dma_start3A_23 = arith.constant 0 : i32
      %dma_start3A_24 = tpu.memref_slice %arg2[%add3A_22, %dma_start3A_23] : memref<4096x2048xf32, #tpu.memory_space<hbm>> -> memref<16x2048xf32, #tpu.memory_space<hbm>>
      %dma_start3A_25 = arith.constant 0 : i32
      %dma_start3A_26 = tpu.memref_slice %arg2[%add3A_22, %dma_start3A_25] : memref<4096x2048xf32, #tpu.memory_space<hbm>> -> memref<16x2048xf32, #tpu.memory_space<hbm>>
      tpu.enqueue_dma source(%dma_start3A_26 : memref<16x2048xf32, #tpu.memory_space<hbm>>) target(%arg7 : memref<16x2048xf32, #tpu.memory_space<vmem>>) target_semaphore(%arg11 : memref<!tpu.dma_semaphore, #tpu.memory_space<semaphore_mem>>)
      %dma_wait3A = arith.constant 0 : i32
      %dma_wait3A_27 = tpu.memref_slice %arg2[%add3A_14, %dma_wait3A] : memref<4096x2048xf32, #tpu.memory_space<hbm>> -> memref<16x2048xf32, #tpu.memory_space<hbm>>
      %dma_wait3A_28 = arith.constant 0 : i32
      %dma_wait3A_29 = tpu.memref_slice %arg2[%add3A_14, %dma_wait3A_28] : memref<4096x2048xf32, #tpu.memory_space<hbm>> -> memref<16x2048xf32, #tpu.memory_space<hbm>>
      tpu.wait_dma2 semaphore(%arg10 : memref<!tpu.dma_semaphore, #tpu.memory_space<semaphore_mem>>) src(%dma_wait3A_29 : memref<16x2048xf32, #tpu.memory_space<hbm>>) dst(%arg6 : memref<16x2048xf32, #tpu.memory_space<vmem>>)
      %dma_start3A_30 = arith.constant 0 : i32
      %dma_start3A_31 = tpu.memref_slice %arg8[%add3A_11, %dma_start3A_30] : memref<8x16xi32, #tpu.memory_space<vmem>> -> memref<1x16xi32, #tpu.memory_space<vmem>>
      %dma_start3A_32 = tpu.memref_squeeze %dma_start3A_31 : memref<1x16xi32, #tpu.memory_space<vmem>> -> memref<16xi32, #tpu.memory_space<vmem>>
      %dma_start3A_33 = arith.constant 0 : i32
      %dma_start3A_34 = arith.constant 0 : i32
      %dma_start3A_35 = tpu.memref_slice %arg5[%dma_start3A_33, %dma_start3A_34] : memref<10240x2048xf32, #tpu.memory_space<hbm>> -> memref<10240x2048xf32, #tpu.memory_space<hbm>>
      tpu.enqueue_indirect_dma source(%arg6 : memref<16x2048xf32, #tpu.memory_space<vmem>>) target(%dma_start3A_35 : memref<10240x2048xf32, #tpu.memory_space<hbm>>) offsets(%dma_start3A_32 : memref<16xi32, #tpu.memory_space<vmem>>) semaphore(%arg12 : memref<!tpu.dma_semaphore, #tpu.memory_space<semaphore_mem>>)
      %dma_start3A_36 = arith.constant 0 : i32
      %dma_start3A_37 = tpu.memref_slice %arg9[%add3A_11, %dma_start3A_36] : memref<8x16xi32, #tpu.memory_space<vmem>> -> memref<1x16xi32, #tpu.memory_space<vmem>>
      %dma_start3A_38 = tpu.memref_squeeze %dma_start3A_37 : memref<1x16xi32, #tpu.memory_space<vmem>> -> memref<16xi32, #tpu.memory_space<vmem>>
      %dma_start3A_39 = arith.constant 0 : i32
      %dma_start3A_40 = arith.constant 0 : i32
      %dma_start3A_41 = tpu.memref_slice %arg5[%dma_start3A_39, %dma_start3A_40] : memref<10240x2048xf32, #tpu.memory_space<hbm>> -> memref<10240x2048xf32, #tpu.memory_space<hbm>>
      tpu.enqueue_indirect_dma source(%arg6 : memref<16x2048xf32, #tpu.memory_space<vmem>>) target(%dma_start3A_41 : memref<10240x2048xf32, #tpu.memory_space<hbm>>) offsets(%dma_start3A_38 : memref<16xi32, #tpu.memory_space<vmem>>) semaphore(%arg12 : memref<!tpu.dma_semaphore, #tpu.memory_space<semaphore_mem>>)
      %dma_wait3A_42 = arith.constant 0 : i32
      %dma_wait3A_43 = tpu.memref_slice %arg2[%add3A_22, %dma_wait3A_42] : memref<4096x2048xf32, #tpu.memory_space<hbm>> -> memref<16x2048xf32, #tpu.memory_space<hbm>>
      %dma_wait3A_44 = arith.constant 0 : i32
      %dma_wait3A_45 = tpu.memref_slice %arg2[%add3A_22, %dma_wait3A_44] : memref<4096x2048xf32, #tpu.memory_space<hbm>> -> memref<16x2048xf32, #tpu.memory_space<hbm>>
      tpu.wait_dma2 semaphore(%arg11 : memref<!tpu.dma_semaphore, #tpu.memory_space<semaphore_mem>>) src(%dma_wait3A_45 : memref<16x2048xf32, #tpu.memory_space<hbm>>) dst(%arg7 : memref<16x2048xf32, #tpu.memory_space<vmem>>)
      %add3A_46 = arith.constant 1 : i32
      %add3A_47 = arith.addi %add3A_11, %add3A_46 : i32
      %dma_start3A_48 = arith.constant 0 : i32
      %dma_start3A_49 = tpu.memref_slice %arg8[%add3A_47, %dma_start3A_48] : memref<8x16xi32, #tpu.memory_space<vmem>> -> memref<1x16xi32, #tpu.memory_space<vmem>>
      %dma_start3A_50 = tpu.memref_squeeze %dma_start3A_49 : memref<1x16xi32, #tpu.memory_space<vmem>> -> memref<16xi32, #tpu.memory_space<vmem>>
      %dma_start3A_51 = arith.constant 0 : i32
      %dma_start3A_52 = arith.constant 0 : i32
      %dma_start3A_53 = tpu.memref_slice %arg5[%dma_start3A_51, %dma_start3A_52] : memref<10240x2048xf32, #tpu.memory_space<hbm>> -> memref<10240x2048xf32, #tpu.memory_space<hbm>>
      tpu.enqueue_indirect_dma source(%arg7 : memref<16x2048xf32, #tpu.memory_space<vmem>>) target(%dma_start3A_53 : memref<10240x2048xf32, #tpu.memory_space<hbm>>) offsets(%dma_start3A_50 : memref<16xi32, #tpu.memory_space<vmem>>) semaphore(%arg13 : memref<!tpu.dma_semaphore, #tpu.memory_space<semaphore_mem>>)
      %add3A_54 = arith.constant 1 : i32
      %add3A_55 = arith.addi %add3A_11, %add3A_54 : i32
      %dma_start3A_56 = arith.constant 0 : i32
      %dma_start3A_57 = tpu.memref_slice %arg9[%add3A_55, %dma_start3A_56] : memref<8x16xi32, #tpu.memory_space<vmem>> -> memref<1x16xi32, #tpu.memory_space<vmem>>
      %dma_start3A_58 = tpu.memref_squeeze %dma_start3A_57 : memref<1x16xi32, #tpu.memory_space<vmem>> -> memref<16xi32, #tpu.memory_space<vmem>>
      %dma_start3A_59 = arith.constant 0 : i32
      %dma_start3A_60 = arith.constant 0 : i32
      %dma_start3A_61 = tpu.memref_slice %arg5[%dma_start3A_59, %dma_start3A_60] : memref<10240x2048xf32, #tpu.memory_space<hbm>> -> memref<10240x2048xf32, #tpu.memory_space<hbm>>
      tpu.enqueue_indirect_dma source(%arg7 : memref<16x2048xf32, #tpu.memory_space<vmem>>) target(%dma_start3A_61 : memref<10240x2048xf32, #tpu.memory_space<hbm>>) offsets(%dma_start3A_58 : memref<16xi32, #tpu.memory_space<vmem>>) semaphore(%arg13 : memref<!tpu.dma_semaphore, #tpu.memory_space<semaphore_mem>>)
      %dma_wait3A_62 = arith.constant 0 : i32
      %dma_wait3A_63 = tpu.memref_slice %arg8[%add3A_11, %dma_wait3A_62] : memref<8x16xi32, #tpu.memory_space<vmem>> -> memref<1x16xi32, #tpu.memory_space<vmem>>
      %dma_wait3A_64 = tpu.memref_squeeze %dma_wait3A_63 : memref<1x16xi32, #tpu.memory_space<vmem>> -> memref<16xi32, #tpu.memory_space<vmem>>
      %dma_wait3A_65 = arith.constant 0 : i32
      %dma_wait3A_66 = arith.constant 0 : i32
      %dma_wait3A_67 = tpu.memref_slice %arg5[%dma_wait3A_65, %dma_wait3A_66] : memref<10240x2048xf32, #tpu.memory_space<hbm>> -> memref<10240x2048xf32, #tpu.memory_space<hbm>>
      tpu.wait_indirect_dma semaphore(%arg12 : memref<!tpu.dma_semaphore, #tpu.memory_space<semaphore_mem>>) src(%arg6 : memref<16x2048xf32, #tpu.memory_space<vmem>>) dst(%dma_wait3A_67 : memref<10240x2048xf32, #tpu.memory_space<hbm>>)
      %dma_wait3A_68 = arith.constant 0 : i32
      %dma_wait3A_69 = tpu.memref_slice %arg9[%add3A_11, %dma_wait3A_68] : memref<8x16xi32, #tpu.memory_space<vmem>> -> memref<1x16xi32, #tpu.memory_space<vmem>>
      %dma_wait3A_70 = tpu.memref_squeeze %dma_wait3A_69 : memref<1x16xi32, #tpu.memory_space<vmem>> -> memref<16xi32, #tpu.memory_space<vmem>>
      %dma_wait3A_71 = arith.constant 0 : i32
      %dma_wait3A_72 = arith.constant 0 : i32
      %dma_wait3A_73 = tpu.memref_slice %arg5[%dma_wait3A_71, %dma_wait3A_72] : memref<10240x2048xf32, #tpu.memory_space<hbm>> -> memref<10240x2048xf32, #tpu.memory_space<hbm>>
      tpu.wait_indirect_dma semaphore(%arg12 : memref<!tpu.dma_semaphore, #tpu.memory_space<semaphore_mem>>) src(%arg6 : memref<16x2048xf32, #tpu.memory_space<vmem>>) dst(%dma_wait3A_73 : memref<10240x2048xf32, #tpu.memory_space<hbm>>)
      %dma_wait3A_74 = arith.constant 0 : i32
      %dma_wait3A_75 = tpu.memref_slice %arg8[%add3A_47, %dma_wait3A_74] : memref<8x16xi32, #tpu.memory_space<vmem>> -> memref<1x16xi32, #tpu.memory_space<vmem>>
      %dma_wait3A_76 = tpu.memref_squeeze %dma_wait3A_75 : memref<1x16xi32, #tpu.memory_space<vmem>> -> memref<16xi32, #tpu.memory_space<vmem>>
      %dma_wait3A_77 = arith.constant 0 : i32
      %dma_wait3A_78 = arith.constant 0 : i32
      %dma_wait3A_79 = tpu.memref_slice %arg5[%dma_wait3A_77, %dma_wait3A_78] : memref<10240x2048xf32, #tpu.memory_space<hbm>> -> memref<10240x2048xf32, #tpu.memory_space<hbm>>
      tpu.wait_indirect_dma semaphore(%arg13 : memref<!tpu.dma_semaphore, #tpu.memory_space<semaphore_mem>>) src(%arg7 : memref<16x2048xf32, #tpu.memory_space<vmem>>) dst(%dma_wait3A_79 : memref<10240x2048xf32, #tpu.memory_space<hbm>>)
      %dma_wait3A_80 = arith.constant 0 : i32
      %dma_wait3A_81 = tpu.memref_slice %arg9[%add3A_55, %dma_wait3A_80] : memref<8x16xi32, #tpu.memory_space<vmem>> -> memref<1x16xi32, #tpu.memory_space<vmem>>
      %dma_wait3A_82 = tpu.memref_squeeze %dma_wait3A_81 : memref<1x16xi32, #tpu.memory_space<vmem>> -> memref<16xi32, #tpu.memory_space<vmem>>
      %dma_wait3A_83 = arith.constant 0 : i32
      %dma_wait3A_84 = arith.constant 0 : i32
      %dma_wait3A_85 = tpu.memref_slice %arg5[%dma_wait3A_83, %dma_wait3A_84] : memref<10240x2048xf32, #tpu.memory_space<hbm>> -> memref<10240x2048xf32, #tpu.memory_space<hbm>>
      tpu.wait_indirect_dma semaphore(%arg13 : memref<!tpu.dma_semaphore, #tpu.memory_space<semaphore_mem>>) src(%arg7 : memref<16x2048xf32, #tpu.memory_space<vmem>>) dst(%dma_wait3A_85 : memref<10240x2048xf32, #tpu.memory_space<hbm>>)
    }
    %scan3A_6 = arith.constant 4 : i32
    return
  }
}

#map = affine_map<(d0, d1) -> (0, 0)>
#map1 = affine_map<(d0, d1) -> (0, 0, 0)>
module attributes {stable_mosaic.version = 14 : i64} {
  func.func @k(%arg0: i32, %arg1: i32, %arg2: memref<10240x2048xf32, #tpu.memory_space<hbm>>, %arg3: memref<32x16x8xi32, #tpu.memory_space<hbm>>, %arg4: memref<32x16x8xi32, #tpu.memory_space<hbm>>, %arg5: memref<4096x2048xf32, #tpu.memory_space<hbm>>, %arg6: memref<4096x2048xf32, #tpu.memory_space<hbm>>, %arg7: memref<8x2048xf32, #tpu.memory_space<vmem>>, %arg8: memref<8x2048xf32, #tpu.memory_space<vmem>>, %arg9: memref<8x2048xf32, #tpu.memory_space<vmem>>, %arg10: memref<8x2048xf32, #tpu.memory_space<vmem>>, %arg11: memref<16x8xi32, #tpu.memory_space<vmem>>, %arg12: memref<16x8xi32, #tpu.memory_space<vmem>>, %arg13: memref<!tpu.dma_semaphore, #tpu.memory_space<semaphore_mem>>, %arg14: memref<!tpu.dma_semaphore, #tpu.memory_space<semaphore_mem>>, %arg15: memref<!tpu.dma_semaphore, #tpu.memory_space<semaphore_mem>>, %arg16: memref<!tpu.dma_semaphore, #tpu.memory_space<semaphore_mem>>) attributes {dimension_semantics = [#tpu.dimension_semantics<core_parallel>, #tpu.dimension_semantics<subcore_parallel>], iteration_bounds = array<i64: 2, 16>, scalar_prefetch = 0 : i64, scratch_operands = 10 : i64, tpu.core_type = #tpu.core_type<sc_vector_subcore>, window_params = [{transform_indices = #map}, {transform_indices = #map1}, {transform_indices = #map1}, {transform_indices = #map}, {transform_indices = #map}]} {
    %mul3A = arith.constant 2 : i32
    %mul3A_0 = arith.muli %arg1, %mul3A : i32
    %add3A = arith.addi %mul3A_0, %arg0 : i32
    %mul3A_1 = arith.constant 128 : i32
    %mul3A_2 = arith.muli %add3A, %mul3A_1 : i32
    "tpu.region"() ({
      %run_scoped3A = tpu.sem_alloc : memref<!tpu.dma_semaphore, #tpu.memory_space<semaphore_mem>>
      %dma_start3A = arith.constant 0 : i32
      %dma_start3A_7 = arith.constant 0 : i32
      %dma_start3A_8 = tpu.memref_slice %arg3[%add3A, %dma_start3A, %dma_start3A_7] : memref<32x16x8xi32, #tpu.memory_space<hbm>> -> memref<1x16x8xi32, #tpu.memory_space<hbm>>
      %dma_start3A_9 = tpu.memref_squeeze %dma_start3A_8 : memref<1x16x8xi32, #tpu.memory_space<hbm>> -> memref<16x8xi32, #tpu.memory_space<hbm>>
      %dma_start3A_10 = arith.constant 0 : i32
      %dma_start3A_11 = arith.constant 0 : i32
      %dma_start3A_12 = tpu.memref_slice %arg3[%add3A, %dma_start3A_10, %dma_start3A_11] : memref<32x16x8xi32, #tpu.memory_space<hbm>> -> memref<1x16x8xi32, #tpu.memory_space<hbm>>
      %dma_start3A_13 = tpu.memref_squeeze %dma_start3A_12 : memref<1x16x8xi32, #tpu.memory_space<hbm>> -> memref<16x8xi32, #tpu.memory_space<hbm>>
      tpu.enqueue_dma source(%dma_start3A_13 : memref<16x8xi32, #tpu.memory_space<hbm>>) target(%arg11 : memref<16x8xi32, #tpu.memory_space<vmem>>) target_semaphore(%run_scoped3A : memref<!tpu.dma_semaphore, #tpu.memory_space<semaphore_mem>>)
      %dma_wait3A = arith.constant 0 : i32
      %dma_wait3A_14 = arith.constant 0 : i32
      %dma_wait3A_15 = tpu.memref_slice %arg3[%add3A, %dma_wait3A, %dma_wait3A_14] : memref<32x16x8xi32, #tpu.memory_space<hbm>> -> memref<1x16x8xi32, #tpu.memory_space<hbm>>
      %dma_wait3A_16 = tpu.memref_squeeze %dma_wait3A_15 : memref<1x16x8xi32, #tpu.memory_space<hbm>> -> memref<16x8xi32, #tpu.memory_space<hbm>>
      %dma_wait3A_17 = arith.constant 0 : i32
      %dma_wait3A_18 = arith.constant 0 : i32
      %dma_wait3A_19 = tpu.memref_slice %arg3[%add3A, %dma_wait3A_17, %dma_wait3A_18] : memref<32x16x8xi32, #tpu.memory_space<hbm>> -> memref<1x16x8xi32, #tpu.memory_space<hbm>>
      %dma_wait3A_20 = tpu.memref_squeeze %dma_wait3A_19 : memref<1x16x8xi32, #tpu.memory_space<hbm>> -> memref<16x8xi32, #tpu.memory_space<hbm>>
      tpu.wait_dma2 semaphore(%run_scoped3A : memref<!tpu.dma_semaphore, #tpu.memory_space<semaphore_mem>>) src(%dma_wait3A_20 : memref<16x8xi32, #tpu.memory_space<hbm>>) dst(%arg11 : memref<16x8xi32, #tpu.memory_space<vmem>>)
      tpu.yield
    }) : () -> ()
    "tpu.region"() ({
      %run_scoped3A = tpu.sem_alloc : memref<!tpu.dma_semaphore, #tpu.memory_space<semaphore_mem>>
      %dma_start3A = arith.constant 0 : i32
      %dma_start3A_7 = arith.constant 0 : i32
      %dma_start3A_8 = tpu.memref_slice %arg4[%add3A, %dma_start3A, %dma_start3A_7] : memref<32x16x8xi32, #tpu.memory_space<hbm>> -> memref<1x16x8xi32, #tpu.memory_space<hbm>>
      %dma_start3A_9 = tpu.memref_squeeze %dma_start3A_8 : memref<1x16x8xi32, #tpu.memory_space<hbm>> -> memref<16x8xi32, #tpu.memory_space<hbm>>
      %dma_start3A_10 = arith.constant 0 : i32
      %dma_start3A_11 = arith.constant 0 : i32
      %dma_start3A_12 = tpu.memref_slice %arg4[%add3A, %dma_start3A_10, %dma_start3A_11] : memref<32x16x8xi32, #tpu.memory_space<hbm>> -> memref<1x16x8xi32, #tpu.memory_space<hbm>>
      %dma_start3A_13 = tpu.memref_squeeze %dma_start3A_12 : memref<1x16x8xi32, #tpu.memory_space<hbm>> -> memref<16x8xi32, #tpu.memory_space<hbm>>
      tpu.enqueue_dma source(%dma_start3A_13 : memref<16x8xi32, #tpu.memory_space<hbm>>) target(%arg12 : memref<16x8xi32, #tpu.memory_space<vmem>>) target_semaphore(%run_scoped3A : memref<!tpu.dma_semaphore, #tpu.memory_space<semaphore_mem>>)
      %dma_wait3A = arith.constant 0 : i32
      %dma_wait3A_14 = arith.constant 0 : i32
      %dma_wait3A_15 = tpu.memref_slice %arg4[%add3A, %dma_wait3A, %dma_wait3A_14] : memref<32x16x8xi32, #tpu.memory_space<hbm>> -> memref<1x16x8xi32, #tpu.memory_space<hbm>>
      %dma_wait3A_16 = tpu.memref_squeeze %dma_wait3A_15 : memref<1x16x8xi32, #tpu.memory_space<hbm>> -> memref<16x8xi32, #tpu.memory_space<hbm>>
      %dma_wait3A_17 = arith.constant 0 : i32
      %dma_wait3A_18 = arith.constant 0 : i32
      %dma_wait3A_19 = tpu.memref_slice %arg4[%add3A, %dma_wait3A_17, %dma_wait3A_18] : memref<32x16x8xi32, #tpu.memory_space<hbm>> -> memref<1x16x8xi32, #tpu.memory_space<hbm>>
      %dma_wait3A_20 = tpu.memref_squeeze %dma_wait3A_19 : memref<1x16x8xi32, #tpu.memory_space<hbm>> -> memref<16x8xi32, #tpu.memory_space<hbm>>
      tpu.wait_dma2 semaphore(%run_scoped3A : memref<!tpu.dma_semaphore, #tpu.memory_space<semaphore_mem>>) src(%dma_wait3A_20 : memref<16x8xi32, #tpu.memory_space<hbm>>) dst(%arg12 : memref<16x8xi32, #tpu.memory_space<vmem>>)
      tpu.yield
    }) : () -> ()
    %scan3A = arith.constant 0 : i32
    %scan3A_3 = arith.constant 8 : i32
    %scan3A_4 = arith.addi %scan3A, %scan3A_3 : i32
    %scan3A_5 = arith.constant 1 : i32
    scf.for %scan3A_7 = %scan3A to %scan3A_4 step %scan3A_5  : i32 {
      %mul3A_8 = arith.constant 2 : i32
      %mul3A_9 = arith.muli %scan3A_7, %mul3A_8 : i32
      %add3A_10 = arith.constant 0 : i32
      %add3A_11 = arith.addi %add3A_10, %mul3A_9 : i32
      %dma_start3A = arith.constant 0 : i32
      %dma_start3A_12 = tpu.memref_slice %arg11[%add3A_11, %dma_start3A] : memref<16x8xi32, #tpu.memory_space<vmem>> -> memref<1x8xi32, #tpu.memory_space<vmem>>
      %dma_start3A_13 = tpu.memref_squeeze %dma_start3A_12 : memref<1x8xi32, #tpu.memory_space<vmem>> -> memref<8xi32, #tpu.memory_space<vmem>>
      %dma_start3A_14 = arith.constant 0 : i32
      %dma_start3A_15 = arith.constant 0 : i32
      %dma_start3A_16 = tpu.memref_slice %arg2[%dma_start3A_14, %dma_start3A_15] : memref<10240x2048xf32, #tpu.memory_space<hbm>> -> memref<10240x2048xf32, #tpu.memory_space<hbm>>
      tpu.enqueue_indirect_dma source(%dma_start3A_16 : memref<10240x2048xf32, #tpu.memory_space<hbm>>) target(%arg7 : memref<8x2048xf32, #tpu.memory_space<vmem>>) offsets(%dma_start3A_13 : memref<8xi32, #tpu.memory_space<vmem>>) semaphore(%arg13 : memref<!tpu.dma_semaphore, #tpu.memory_space<semaphore_mem>>)
      %dma_start3A_17 = arith.constant 0 : i32
      %dma_start3A_18 = tpu.memref_slice %arg12[%add3A_11, %dma_start3A_17] : memref<16x8xi32, #tpu.memory_space<vmem>> -> memref<1x8xi32, #tpu.memory_space<vmem>>
      %dma_start3A_19 = tpu.memref_squeeze %dma_start3A_18 : memref<1x8xi32, #tpu.memory_space<vmem>> -> memref<8xi32, #tpu.memory_space<vmem>>
      %dma_start3A_20 = arith.constant 0 : i32
      %dma_start3A_21 = arith.constant 0 : i32
      %dma_start3A_22 = tpu.memref_slice %arg2[%dma_start3A_20, %dma_start3A_21] : memref<10240x2048xf32, #tpu.memory_space<hbm>> -> memref<10240x2048xf32, #tpu.memory_space<hbm>>
      tpu.enqueue_indirect_dma source(%dma_start3A_22 : memref<10240x2048xf32, #tpu.memory_space<hbm>>) target(%arg8 : memref<8x2048xf32, #tpu.memory_space<vmem>>) offsets(%dma_start3A_19 : memref<8xi32, #tpu.memory_space<vmem>>) semaphore(%arg13 : memref<!tpu.dma_semaphore, #tpu.memory_space<semaphore_mem>>)
      %add3A_23 = arith.constant 1 : i32
      %add3A_24 = arith.addi %add3A_11, %add3A_23 : i32
      %dma_start3A_25 = arith.constant 0 : i32
      %dma_start3A_26 = tpu.memref_slice %arg11[%add3A_24, %dma_start3A_25] : memref<16x8xi32, #tpu.memory_space<vmem>> -> memref<1x8xi32, #tpu.memory_space<vmem>>
      %dma_start3A_27 = tpu.memref_squeeze %dma_start3A_26 : memref<1x8xi32, #tpu.memory_space<vmem>> -> memref<8xi32, #tpu.memory_space<vmem>>
      %dma_start3A_28 = arith.constant 0 : i32
      %dma_start3A_29 = arith.constant 0 : i32
      %dma_start3A_30 = tpu.memref_slice %arg2[%dma_start3A_28, %dma_start3A_29] : memref<10240x2048xf32, #tpu.memory_space<hbm>> -> memref<10240x2048xf32, #tpu.memory_space<hbm>>
      tpu.enqueue_indirect_dma source(%dma_start3A_30 : memref<10240x2048xf32, #tpu.memory_space<hbm>>) target(%arg9 : memref<8x2048xf32, #tpu.memory_space<vmem>>) offsets(%dma_start3A_27 : memref<8xi32, #tpu.memory_space<vmem>>) semaphore(%arg14 : memref<!tpu.dma_semaphore, #tpu.memory_space<semaphore_mem>>)
      %add3A_31 = arith.constant 1 : i32
      %add3A_32 = arith.addi %add3A_11, %add3A_31 : i32
      %dma_start3A_33 = arith.constant 0 : i32
      %dma_start3A_34 = tpu.memref_slice %arg12[%add3A_32, %dma_start3A_33] : memref<16x8xi32, #tpu.memory_space<vmem>> -> memref<1x8xi32, #tpu.memory_space<vmem>>
      %dma_start3A_35 = tpu.memref_squeeze %dma_start3A_34 : memref<1x8xi32, #tpu.memory_space<vmem>> -> memref<8xi32, #tpu.memory_space<vmem>>
      %dma_start3A_36 = arith.constant 0 : i32
      %dma_start3A_37 = arith.constant 0 : i32
      %dma_start3A_38 = tpu.memref_slice %arg2[%dma_start3A_36, %dma_start3A_37] : memref<10240x2048xf32, #tpu.memory_space<hbm>> -> memref<10240x2048xf32, #tpu.memory_space<hbm>>
      tpu.enqueue_indirect_dma source(%dma_start3A_38 : memref<10240x2048xf32, #tpu.memory_space<hbm>>) target(%arg10 : memref<8x2048xf32, #tpu.memory_space<vmem>>) offsets(%dma_start3A_35 : memref<8xi32, #tpu.memory_space<vmem>>) semaphore(%arg14 : memref<!tpu.dma_semaphore, #tpu.memory_space<semaphore_mem>>)
      %dma_wait3A = arith.constant 0 : i32
      %dma_wait3A_39 = tpu.memref_slice %arg11[%add3A_11, %dma_wait3A] : memref<16x8xi32, #tpu.memory_space<vmem>> -> memref<1x8xi32, #tpu.memory_space<vmem>>
      %dma_wait3A_40 = tpu.memref_squeeze %dma_wait3A_39 : memref<1x8xi32, #tpu.memory_space<vmem>> -> memref<8xi32, #tpu.memory_space<vmem>>
      %dma_wait3A_41 = arith.constant 0 : i32
      %dma_wait3A_42 = arith.constant 0 : i32
      %dma_wait3A_43 = tpu.memref_slice %arg2[%dma_wait3A_41, %dma_wait3A_42] : memref<10240x2048xf32, #tpu.memory_space<hbm>> -> memref<10240x2048xf32, #tpu.memory_space<hbm>>
      tpu.wait_indirect_dma semaphore(%arg13 : memref<!tpu.dma_semaphore, #tpu.memory_space<semaphore_mem>>) src(%dma_wait3A_43 : memref<10240x2048xf32, #tpu.memory_space<hbm>>) dst(%arg7 : memref<8x2048xf32, #tpu.memory_space<vmem>>)
      %dma_wait3A_44 = arith.constant 0 : i32
      %dma_wait3A_45 = tpu.memref_slice %arg12[%add3A_11, %dma_wait3A_44] : memref<16x8xi32, #tpu.memory_space<vmem>> -> memref<1x8xi32, #tpu.memory_space<vmem>>
      %dma_wait3A_46 = tpu.memref_squeeze %dma_wait3A_45 : memref<1x8xi32, #tpu.memory_space<vmem>> -> memref<8xi32, #tpu.memory_space<vmem>>
      %dma_wait3A_47 = arith.constant 0 : i32
      %dma_wait3A_48 = arith.constant 0 : i32
      %dma_wait3A_49 = tpu.memref_slice %arg2[%dma_wait3A_47, %dma_wait3A_48] : memref<10240x2048xf32, #tpu.memory_space<hbm>> -> memref<10240x2048xf32, #tpu.memory_space<hbm>>
      tpu.wait_indirect_dma semaphore(%arg13 : memref<!tpu.dma_semaphore, #tpu.memory_space<semaphore_mem>>) src(%dma_wait3A_49 : memref<10240x2048xf32, #tpu.memory_space<hbm>>) dst(%arg8 : memref<8x2048xf32, #tpu.memory_space<vmem>>)
      %mul3A_50 = arith.constant 8 : i32
      %mul3A_51 = arith.muli %add3A_11, %mul3A_50 : i32
      %add3A_52 = arith.addi %mul3A_2, %mul3A_51 : i32
      %dma_start3A_53 = arith.constant 0 : i32
      %dma_start3A_54 = tpu.memref_slice %arg5[%add3A_52, %dma_start3A_53] : memref<4096x2048xf32, #tpu.memory_space<hbm>> -> memref<8x2048xf32, #tpu.memory_space<hbm>>
      %dma_start3A_55 = arith.constant 0 : i32
      %dma_start3A_56 = tpu.memref_slice %arg5[%add3A_52, %dma_start3A_55] : memref<4096x2048xf32, #tpu.memory_space<hbm>> -> memref<8x2048xf32, #tpu.memory_space<hbm>>
      tpu.enqueue_dma source(%arg7 : memref<8x2048xf32, #tpu.memory_space<vmem>>) target(%dma_start3A_56 : memref<8x2048xf32, #tpu.memory_space<hbm>>) target_semaphore(%arg15 : memref<!tpu.dma_semaphore, #tpu.memory_space<semaphore_mem>>)
      %dma_start3A_57 = arith.constant 0 : i32
      %dma_start3A_58 = tpu.memref_slice %arg6[%add3A_52, %dma_start3A_57] : memref<4096x2048xf32, #tpu.memory_space<hbm>> -> memref<8x2048xf32, #tpu.memory_space<hbm>>
      %dma_start3A_59 = arith.constant 0 : i32
      %dma_start3A_60 = tpu.memref_slice %arg6[%add3A_52, %dma_start3A_59] : memref<4096x2048xf32, #tpu.memory_space<hbm>> -> memref<8x2048xf32, #tpu.memory_space<hbm>>
      tpu.enqueue_dma source(%arg8 : memref<8x2048xf32, #tpu.memory_space<vmem>>) target(%dma_start3A_60 : memref<8x2048xf32, #tpu.memory_space<hbm>>) target_semaphore(%arg15 : memref<!tpu.dma_semaphore, #tpu.memory_space<semaphore_mem>>)
      %dma_wait3A_61 = arith.constant 0 : i32
      %dma_wait3A_62 = tpu.memref_slice %arg11[%add3A_24, %dma_wait3A_61] : memref<16x8xi32, #tpu.memory_space<vmem>> -> memref<1x8xi32, #tpu.memory_space<vmem>>
      %dma_wait3A_63 = tpu.memref_squeeze %dma_wait3A_62 : memref<1x8xi32, #tpu.memory_space<vmem>> -> memref<8xi32, #tpu.memory_space<vmem>>
      %dma_wait3A_64 = arith.constant 0 : i32
      %dma_wait3A_65 = arith.constant 0 : i32
      %dma_wait3A_66 = tpu.memref_slice %arg2[%dma_wait3A_64, %dma_wait3A_65] : memref<10240x2048xf32, #tpu.memory_space<hbm>> -> memref<10240x2048xf32, #tpu.memory_space<hbm>>
      tpu.wait_indirect_dma semaphore(%arg14 : memref<!tpu.dma_semaphore, #tpu.memory_space<semaphore_mem>>) src(%dma_wait3A_66 : memref<10240x2048xf32, #tpu.memory_space<hbm>>) dst(%arg9 : memref<8x2048xf32, #tpu.memory_space<vmem>>)
      %dma_wait3A_67 = arith.constant 0 : i32
      %dma_wait3A_68 = tpu.memref_slice %arg12[%add3A_32, %dma_wait3A_67] : memref<16x8xi32, #tpu.memory_space<vmem>> -> memref<1x8xi32, #tpu.memory_space<vmem>>
      %dma_wait3A_69 = tpu.memref_squeeze %dma_wait3A_68 : memref<1x8xi32, #tpu.memory_space<vmem>> -> memref<8xi32, #tpu.memory_space<vmem>>
      %dma_wait3A_70 = arith.constant 0 : i32
      %dma_wait3A_71 = arith.constant 0 : i32
      %dma_wait3A_72 = tpu.memref_slice %arg2[%dma_wait3A_70, %dma_wait3A_71] : memref<10240x2048xf32, #tpu.memory_space<hbm>> -> memref<10240x2048xf32, #tpu.memory_space<hbm>>
      tpu.wait_indirect_dma semaphore(%arg14 : memref<!tpu.dma_semaphore, #tpu.memory_space<semaphore_mem>>) src(%dma_wait3A_72 : memref<10240x2048xf32, #tpu.memory_space<hbm>>) dst(%arg10 : memref<8x2048xf32, #tpu.memory_space<vmem>>)
      %add3A_73 = arith.constant 1 : i32
      %add3A_74 = arith.addi %add3A_11, %add3A_73 : i32
      %mul3A_75 = arith.constant 8 : i32
      %mul3A_76 = arith.muli %add3A_74, %mul3A_75 : i32
      %add3A_77 = arith.addi %mul3A_2, %mul3A_76 : i32
      %dma_start3A_78 = arith.constant 0 : i32
      %dma_start3A_79 = tpu.memref_slice %arg5[%add3A_77, %dma_start3A_78] : memref<4096x2048xf32, #tpu.memory_space<hbm>> -> memref<8x2048xf32, #tpu.memory_space<hbm>>
      %dma_start3A_80 = arith.constant 0 : i32
      %dma_start3A_81 = tpu.memref_slice %arg5[%add3A_77, %dma_start3A_80] : memref<4096x2048xf32, #tpu.memory_space<hbm>> -> memref<8x2048xf32, #tpu.memory_space<hbm>>
      tpu.enqueue_dma source(%arg9 : memref<8x2048xf32, #tpu.memory_space<vmem>>) target(%dma_start3A_81 : memref<8x2048xf32, #tpu.memory_space<hbm>>) target_semaphore(%arg16 : memref<!tpu.dma_semaphore, #tpu.memory_space<semaphore_mem>>)
      %dma_start3A_82 = arith.constant 0 : i32
      %dma_start3A_83 = tpu.memref_slice %arg6[%add3A_77, %dma_start3A_82] : memref<4096x2048xf32, #tpu.memory_space<hbm>> -> memref<8x2048xf32, #tpu.memory_space<hbm>>
      %dma_start3A_84 = arith.constant 0 : i32
      %dma_start3A_85 = tpu.memref_slice %arg6[%add3A_77, %dma_start3A_84] : memref<4096x2048xf32, #tpu.memory_space<hbm>> -> memref<8x2048xf32, #tpu.memory_space<hbm>>
      tpu.enqueue_dma source(%arg10 : memref<8x2048xf32, #tpu.memory_space<vmem>>) target(%dma_start3A_85 : memref<8x2048xf32, #tpu.memory_space<hbm>>) target_semaphore(%arg16 : memref<!tpu.dma_semaphore, #tpu.memory_space<semaphore_mem>>)
      %dma_wait3A_86 = arith.constant 0 : i32
      %dma_wait3A_87 = tpu.memref_slice %arg5[%add3A_52, %dma_wait3A_86] : memref<4096x2048xf32, #tpu.memory_space<hbm>> -> memref<8x2048xf32, #tpu.memory_space<hbm>>
      %dma_wait3A_88 = arith.constant 0 : i32
      %dma_wait3A_89 = tpu.memref_slice %arg5[%add3A_52, %dma_wait3A_88] : memref<4096x2048xf32, #tpu.memory_space<hbm>> -> memref<8x2048xf32, #tpu.memory_space<hbm>>
      tpu.wait_dma2 semaphore(%arg15 : memref<!tpu.dma_semaphore, #tpu.memory_space<semaphore_mem>>) src(%arg7 : memref<8x2048xf32, #tpu.memory_space<vmem>>) dst(%dma_wait3A_89 : memref<8x2048xf32, #tpu.memory_space<hbm>>)
      %dma_wait3A_90 = arith.constant 0 : i32
      %dma_wait3A_91 = tpu.memref_slice %arg6[%add3A_52, %dma_wait3A_90] : memref<4096x2048xf32, #tpu.memory_space<hbm>> -> memref<8x2048xf32, #tpu.memory_space<hbm>>
      %dma_wait3A_92 = arith.constant 0 : i32
      %dma_wait3A_93 = tpu.memref_slice %arg6[%add3A_52, %dma_wait3A_92] : memref<4096x2048xf32, #tpu.memory_space<hbm>> -> memref<8x2048xf32, #tpu.memory_space<hbm>>
      tpu.wait_dma2 semaphore(%arg15 : memref<!tpu.dma_semaphore, #tpu.memory_space<semaphore_mem>>) src(%arg8 : memref<8x2048xf32, #tpu.memory_space<vmem>>) dst(%dma_wait3A_93 : memref<8x2048xf32, #tpu.memory_space<hbm>>)
      %dma_wait3A_94 = arith.constant 0 : i32
      %dma_wait3A_95 = tpu.memref_slice %arg5[%add3A_77, %dma_wait3A_94] : memref<4096x2048xf32, #tpu.memory_space<hbm>> -> memref<8x2048xf32, #tpu.memory_space<hbm>>
      %dma_wait3A_96 = arith.constant 0 : i32
      %dma_wait3A_97 = tpu.memref_slice %arg5[%add3A_77, %dma_wait3A_96] : memref<4096x2048xf32, #tpu.memory_space<hbm>> -> memref<8x2048xf32, #tpu.memory_space<hbm>>
      tpu.wait_dma2 semaphore(%arg16 : memref<!tpu.dma_semaphore, #tpu.memory_space<semaphore_mem>>) src(%arg9 : memref<8x2048xf32, #tpu.memory_space<vmem>>) dst(%dma_wait3A_97 : memref<8x2048xf32, #tpu.memory_space<hbm>>)
      %dma_wait3A_98 = arith.constant 0 : i32
      %dma_wait3A_99 = tpu.memref_slice %arg6[%add3A_77, %dma_wait3A_98] : memref<4096x2048xf32, #tpu.memory_space<hbm>> -> memref<8x2048xf32, #tpu.memory_space<hbm>>
      %dma_wait3A_100 = arith.constant 0 : i32
      %dma_wait3A_101 = tpu.memref_slice %arg6[%add3A_77, %dma_wait3A_100] : memref<4096x2048xf32, #tpu.memory_space<hbm>> -> memref<8x2048xf32, #tpu.memory_space<hbm>>
      tpu.wait_dma2 semaphore(%arg16 : memref<!tpu.dma_semaphore, #tpu.memory_space<semaphore_mem>>) src(%arg10 : memref<8x2048xf32, #tpu.memory_space<vmem>>) dst(%dma_wait3A_101 : memref<8x2048xf32, #tpu.memory_space<hbm>>)
    }
    %scan3A_6 = arith.constant 8 : i32
    return
  }
}

module attributes {stable_mosaic.version = 14 : i64} {
  func.func @_routing_body(%arg0: memref<4096x2048xf32, #tpu.memory_space<vmem>>, %arg1: memref<8x2048xf32, #tpu.memory_space<vmem>>, %arg2: memref<4096x2xi32, #tpu.memory_space<vmem>>, %arg3: memref<4096x2xf32, #tpu.memory_space<vmem>>, %arg4: memref<128x1xi32, #tpu.memory_space<vmem>>, %arg5: memref<1x1xi32, #tpu.memory_space<vmem>>, %arg6: memref<1x1xf32, #tpu.memory_space<vmem>>) attributes {dimension_semantics = [], scalar_prefetch = 0 : i64, scratch_operands = 0 : i64, tpu.core_type = #tpu.core_type<tc>} {
    %get3A = arith.constant 0 : index
    %get3A_0 = arith.constant 0 : index
    %get3A_1 = vector.load %arg0[%get3A, %get3A_0] : memref<4096x2048xf32, #tpu.memory_space<vmem>>, vector<4096x2048xf32>
    %get3A_2 = arith.constant 0 : index
    %get3A_3 = arith.constant 0 : index
    %get3A_4 = vector.load %arg1[%get3A_2, %get3A_3] : memref<8x2048xf32, #tpu.memory_space<vmem>>, vector<8x2048xf32>
    %dot_general3A = arith.constant dense<0.000000e+00> : vector<4096x8xf32>
    %dot_general3A_5 = tpu.matmul %get3A_1, %get3A_4, %dot_general3A {dimension_numbers = #tpu.dot_dimension_numbers<[1], [1], [0], [0], [0, 0, 1, 0], [], []>, transpose_lhs_hint = false} : vector<4096x2048xf32>, vector<8x2048xf32>, vector<4096x8xf32> -> vector<4096x8xf32>
    %iota3A = tpu.iota {dimensions = array<i32: 1>} : vector<4096x8xi32>
    %convert_element_type3A = arith.sitofp %iota3A : vector<4096x8xi32> to vector<4096x8xf32>
    %reduce_max3A = arith.constant dense<0xFF800000> : vector<4096xf32>
    %reduce_max3A_6 = vector.multi_reduction <maximumf>, %dot_general3A_5, %reduce_max3A [1] : vector<4096x8xf32> to vector<4096xf32>
    %broadcast_in_dim3A = vector.shape_cast %reduce_max3A_6 : vector<4096xf32> to vector<4096x1xf32>
    %eq3A = vector.broadcast %broadcast_in_dim3A : vector<4096x1xf32> to vector<4096x8xf32>
    %eq3A_7 = arith.cmpf oeq, %dot_general3A_5, %eq3A : vector<4096x8xf32>
    %jit3A = arith.constant 8.000000e+00 : f32
    %broadcast_in_dim3A_8 = vector.broadcast %jit3A : f32 to vector<4096x8xf32>
    %select_n3A = arith.select %eq3A_7, %convert_element_type3A, %broadcast_in_dim3A_8 : vector<4096x8xi1>, vector<4096x8xf32>
    %reduce_min3A = arith.constant dense<0x7F800000> : vector<4096xf32>
    %reduce_min3A_9 = vector.multi_reduction <minimumf>, %select_n3A, %reduce_min3A [1] : vector<4096x8xf32> to vector<4096xf32>
    %broadcast_in_dim3A_10 = vector.shape_cast %reduce_min3A_9 : vector<4096xf32> to vector<4096x1xf32>
    %eq3A_11 = vector.broadcast %broadcast_in_dim3A_10 : vector<4096x1xf32> to vector<4096x8xf32>
    %eq3A_12 = arith.cmpf oeq, %convert_element_type3A, %eq3A_11 : vector<4096x8xf32>
    %jit3A_13 = arith.constant 0xFF800000 : f32
    %broadcast_in_dim3A_14 = vector.broadcast %jit3A_13 : f32 to vector<4096x8xf32>
    %select_n3A_15 = arith.select %eq3A_12, %broadcast_in_dim3A_14, %dot_general3A_5 : vector<4096x8xi1>, vector<4096x8xf32>
    %reduce_max3A_16 = arith.constant dense<0xFF800000> : vector<4096xf32>
    %reduce_max3A_17 = vector.multi_reduction <maximumf>, %select_n3A_15, %reduce_max3A_16 [1] : vector<4096x8xf32> to vector<4096xf32>
    %broadcast_in_dim3A_18 = vector.shape_cast %reduce_max3A_17 : vector<4096xf32> to vector<4096x1xf32>
    %eq3A_19 = vector.broadcast %broadcast_in_dim3A_18 : vector<4096x1xf32> to vector<4096x8xf32>
    %eq3A_20 = arith.cmpf oeq, %select_n3A_15, %eq3A_19 : vector<4096x8xf32>
    %jit3A_21 = arith.constant 8.000000e+00 : f32
    %broadcast_in_dim3A_22 = vector.broadcast %jit3A_21 : f32 to vector<4096x8xf32>
    %select_n3A_23 = arith.select %eq3A_20, %convert_element_type3A, %broadcast_in_dim3A_22 : vector<4096x8xi1>, vector<4096x8xf32>
    %reduce_min3A_24 = arith.constant dense<0x7F800000> : vector<4096xf32>
    %reduce_min3A_25 = vector.multi_reduction <minimumf>, %select_n3A_23, %reduce_min3A_24 [1] : vector<4096x8xf32> to vector<4096xf32>
    %broadcast_in_dim3A_26 = vector.shape_cast %reduce_min3A_25 : vector<4096xf32> to vector<4096x1xf32>
    %eq3A_27 = vector.broadcast %broadcast_in_dim3A_26 : vector<4096x1xf32> to vector<4096x8xf32>
    %eq3A_28 = arith.cmpf oeq, %convert_element_type3A, %eq3A_27 : vector<4096x8xf32>
    %sub3A = arith.subf %broadcast_in_dim3A_18, %broadcast_in_dim3A : vector<4096x1xf32>
    %exp3A = math.exp %sub3A : vector<4096x1xf32>
    %add3A = arith.constant 1.000000e+00 : f32
    %add3A_29 = vector.broadcast %add3A : f32 to vector<4096x1xf32>
    %add3A_30 = arith.addf %add3A_29, %exp3A : vector<4096x1xf32>
    %div3A = arith.constant 1.000000e+00 : f32
    %div3A_31 = vector.broadcast %div3A : f32 to vector<4096x1xf32>
    %div3A_32 = arith.divf %div3A_31, %add3A_30 : vector<4096x1xf32>
    %div3A_33 = arith.divf %exp3A, %add3A_30 : vector<4096x1xf32>
    %convert_element_type3A_34 = arith.extui %eq3A_12 : vector<4096x8xi1> to vector<4096x8xi32>
    %convert_element_type3A_35 = arith.sitofp %convert_element_type3A_34 : vector<4096x8xi32> to vector<4096x8xf32>
    %convert_element_type3A_36 = arith.extui %eq3A_28 : vector<4096x8xi1> to vector<4096x8xi32>
    %convert_element_type3A_37 = arith.sitofp %convert_element_type3A_36 : vector<4096x8xi32> to vector<4096x8xf32>
    %reduce_sum3A = arith.constant dense<0.000000e+00> : vector<8xf32>
    %reduce_sum3A_38 = vector.multi_reduction <add>, %convert_element_type3A_35, %reduce_sum3A [0] : vector<4096x8xf32> to vector<8xf32>
    %broadcast_in_dim3A_39 = vector.shape_cast %reduce_sum3A_38 : vector<8xf32> to vector<1x8xf32>
    %reduce_sum3A_40 = arith.constant dense<0.000000e+00> : vector<8xf32>
    %reduce_sum3A_41 = vector.multi_reduction <add>, %convert_element_type3A_37, %reduce_sum3A_40 [0] : vector<4096x8xf32> to vector<8xf32>
    %broadcast_in_dim3A_42 = vector.shape_cast %reduce_sum3A_41 : vector<8xf32> to vector<1x8xf32>
    %add3A_43 = arith.addf %broadcast_in_dim3A_39, %broadcast_in_dim3A_42 : vector<1x8xf32>
    %concatenate3A = tpu.concatenate %convert_element_type3A_35, %convert_element_type3A_37 in 1 : vector<4096x8xf32>, vector<4096x8xf32> -> vector<4096x16xf32>
    %broadcast_in_dim3A_44 = arith.constant 0.000000e+00 : f32
    %broadcast_in_dim3A_45 = vector.broadcast %broadcast_in_dim3A_44 : f32 to vector<1x16xf32>
    %slice3A = vector.extract_strided_slice %concatenate3A {offsets = [0, 0], sizes = [4095, 16], strides = [1, 1]} : vector<4096x16xf32> to vector<4095x16xf32>
    %concatenate3A_46 = tpu.concatenate %broadcast_in_dim3A_45, %slice3A in 0 : vector<1x16xf32>, vector<4095x16xf32> -> vector<4096x16xf32>
    %add3A_47 = arith.addf %concatenate3A, %concatenate3A_46 : vector<4096x16xf32>
    %broadcast_in_dim3A_48 = arith.constant 0.000000e+00 : f32
    %broadcast_in_dim3A_49 = vector.broadcast %broadcast_in_dim3A_48 : f32 to vector<2x16xf32>
    %slice3A_50 = vector.extract_strided_slice %add3A_47 {offsets = [0, 0], sizes = [4094, 16], strides = [1, 1]} : vector<4096x16xf32> to vector<4094x16xf32>
    %concatenate3A_51 = tpu.concatenate %broadcast_in_dim3A_49, %slice3A_50 in 0 : vector<2x16xf32>, vector<4094x16xf32> -> vector<4096x16xf32>
    %add3A_52 = arith.addf %add3A_47, %concatenate3A_51 : vector<4096x16xf32>
    %broadcast_in_dim3A_53 = arith.constant 0.000000e+00 : f32
    %broadcast_in_dim3A_54 = vector.broadcast %broadcast_in_dim3A_53 : f32 to vector<4x16xf32>
    %slice3A_55 = vector.extract_strided_slice %add3A_52 {offsets = [0, 0], sizes = [4092, 16], strides = [1, 1]} : vector<4096x16xf32> to vector<4092x16xf32>
    %concatenate3A_56 = tpu.concatenate %broadcast_in_dim3A_54, %slice3A_55 in 0 : vector<4x16xf32>, vector<4092x16xf32> -> vector<4096x16xf32>
    %add3A_57 = arith.addf %add3A_52, %concatenate3A_56 : vector<4096x16xf32>
    %broadcast_in_dim3A_58 = arith.constant 0.000000e+00 : f32
    %broadcast_in_dim3A_59 = vector.broadcast %broadcast_in_dim3A_58 : f32 to vector<8x16xf32>
    %slice3A_60 = vector.extract_strided_slice %add3A_57 {offsets = [0, 0], sizes = [4088, 16], strides = [1, 1]} : vector<4096x16xf32> to vector<4088x16xf32>
    %concatenate3A_61 = tpu.concatenate %broadcast_in_dim3A_59, %slice3A_60 in 0 : vector<8x16xf32>, vector<4088x16xf32> -> vector<4096x16xf32>
    %add3A_62 = arith.addf %add3A_57, %concatenate3A_61 : vector<4096x16xf32>
    %broadcast_in_dim3A_63 = arith.constant 0.000000e+00 : f32
    %broadcast_in_dim3A_64 = vector.broadcast %broadcast_in_dim3A_63 : f32 to vector<16x16xf32>
    %slice3A_65 = vector.extract_strided_slice %add3A_62 {offsets = [0, 0], sizes = [4080, 16], strides = [1, 1]} : vector<4096x16xf32> to vector<4080x16xf32>
    %concatenate3A_66 = tpu.concatenate %broadcast_in_dim3A_64, %slice3A_65 in 0 : vector<16x16xf32>, vector<4080x16xf32> -> vector<4096x16xf32>
    %add3A_67 = arith.addf %add3A_62, %concatenate3A_66 : vector<4096x16xf32>
    %broadcast_in_dim3A_68 = arith.constant 0.000000e+00 : f32
    %broadcast_in_dim3A_69 = vector.broadcast %broadcast_in_dim3A_68 : f32 to vector<32x16xf32>
    %slice3A_70 = vector.extract_strided_slice %add3A_67 {offsets = [0, 0], sizes = [4064, 16], strides = [1, 1]} : vector<4096x16xf32> to vector<4064x16xf32>
    %concatenate3A_71 = tpu.concatenate %broadcast_in_dim3A_69, %slice3A_70 in 0 : vector<32x16xf32>, vector<4064x16xf32> -> vector<4096x16xf32>
    %add3A_72 = arith.addf %add3A_67, %concatenate3A_71 : vector<4096x16xf32>
    %broadcast_in_dim3A_73 = arith.constant 0.000000e+00 : f32
    %broadcast_in_dim3A_74 = vector.broadcast %broadcast_in_dim3A_73 : f32 to vector<64x16xf32>
    %slice3A_75 = vector.extract_strided_slice %add3A_72 {offsets = [0, 0], sizes = [4032, 16], strides = [1, 1]} : vector<4096x16xf32> to vector<4032x16xf32>
    %concatenate3A_76 = tpu.concatenate %broadcast_in_dim3A_74, %slice3A_75 in 0 : vector<64x16xf32>, vector<4032x16xf32> -> vector<4096x16xf32>
    %add3A_77 = arith.addf %add3A_72, %concatenate3A_76 : vector<4096x16xf32>
    %broadcast_in_dim3A_78 = arith.constant 0.000000e+00 : f32
    %broadcast_in_dim3A_79 = vector.broadcast %broadcast_in_dim3A_78 : f32 to vector<128x16xf32>
    %slice3A_80 = vector.extract_strided_slice %add3A_77 {offsets = [0, 0], sizes = [3968, 16], strides = [1, 1]} : vector<4096x16xf32> to vector<3968x16xf32>
    %concatenate3A_81 = tpu.concatenate %broadcast_in_dim3A_79, %slice3A_80 in 0 : vector<128x16xf32>, vector<3968x16xf32> -> vector<4096x16xf32>
    %add3A_82 = arith.addf %add3A_77, %concatenate3A_81 : vector<4096x16xf32>
    %broadcast_in_dim3A_83 = arith.constant 0.000000e+00 : f32
    %broadcast_in_dim3A_84 = vector.broadcast %broadcast_in_dim3A_83 : f32 to vector<256x16xf32>
    %slice3A_85 = vector.extract_strided_slice %add3A_82 {offsets = [0, 0], sizes = [3840, 16], strides = [1, 1]} : vector<4096x16xf32> to vector<3840x16xf32>
    %concatenate3A_86 = tpu.concatenate %broadcast_in_dim3A_84, %slice3A_85 in 0 : vector<256x16xf32>, vector<3840x16xf32> -> vector<4096x16xf32>
    %add3A_87 = arith.addf %add3A_82, %concatenate3A_86 : vector<4096x16xf32>
    %broadcast_in_dim3A_88 = arith.constant 0.000000e+00 : f32
    %broadcast_in_dim3A_89 = vector.broadcast %broadcast_in_dim3A_88 : f32 to vector<512x16xf32>
    %slice3A_90 = vector.extract_strided_slice %add3A_87 {offsets = [0, 0], sizes = [3584, 16], strides = [1, 1]} : vector<4096x16xf32> to vector<3584x16xf32>
    %concatenate3A_91 = tpu.concatenate %broadcast_in_dim3A_89, %slice3A_90 in 0 : vector<512x16xf32>, vector<3584x16xf32> -> vector<4096x16xf32>
    %add3A_92 = arith.addf %add3A_87, %concatenate3A_91 : vector<4096x16xf32>
    %broadcast_in_dim3A_93 = arith.constant 0.000000e+00 : f32
    %broadcast_in_dim3A_94 = vector.broadcast %broadcast_in_dim3A_93 : f32 to vector<1024x16xf32>
    %slice3A_95 = vector.extract_strided_slice %add3A_92 {offsets = [0, 0], sizes = [3072, 16], strides = [1, 1]} : vector<4096x16xf32> to vector<3072x16xf32>
    %concatenate3A_96 = tpu.concatenate %broadcast_in_dim3A_94, %slice3A_95 in 0 : vector<1024x16xf32>, vector<3072x16xf32> -> vector<4096x16xf32>
    %add3A_97 = arith.addf %add3A_92, %concatenate3A_96 : vector<4096x16xf32>
    %broadcast_in_dim3A_98 = arith.constant 0.000000e+00 : f32
    %broadcast_in_dim3A_99 = vector.broadcast %broadcast_in_dim3A_98 : f32 to vector<2048x16xf32>
    %slice3A_100 = vector.extract_strided_slice %add3A_97 {offsets = [0, 0], sizes = [2048, 16], strides = [1, 1]} : vector<4096x16xf32> to vector<2048x16xf32>
    %concatenate3A_101 = tpu.concatenate %broadcast_in_dim3A_99, %slice3A_100 in 0 : vector<2048x16xf32>, vector<2048x16xf32> -> vector<4096x16xf32>
    %add3A_102 = arith.addf %add3A_97, %concatenate3A_101 : vector<4096x16xf32>
    %sub3A_103 = arith.subf %add3A_102, %concatenate3A : vector<4096x16xf32>
    %slice3A_104 = vector.extract_strided_slice %sub3A_103 {offsets = [0, 0], sizes = [4096, 8], strides = [1, 1]} : vector<4096x16xf32> to vector<4096x8xf32>
    %slice3A_105 = vector.extract_strided_slice %sub3A_103 {offsets = [0, 8], sizes = [4096, 8], strides = [1, 1]} : vector<4096x16xf32> to vector<4096x8xf32>
    %mul3A = arith.mulf %convert_element_type3A_35, %slice3A_104 : vector<4096x8xf32>
    %reduce_sum3A_106 = arith.constant dense<0.000000e+00> : vector<4096xf32>
    %reduce_sum3A_107 = vector.multi_reduction <add>, %mul3A, %reduce_sum3A_106 [1] : vector<4096x8xf32> to vector<4096xf32>
    %broadcast_in_dim3A_108 = vector.shape_cast %reduce_sum3A_107 : vector<4096xf32> to vector<4096x1xf32>
    %mul3A_109 = arith.mulf %convert_element_type3A_37, %slice3A_105 : vector<4096x8xf32>
    %reduce_sum3A_110 = arith.constant dense<0.000000e+00> : vector<4096xf32>
    %reduce_sum3A_111 = vector.multi_reduction <add>, %mul3A_109, %reduce_sum3A_110 [1] : vector<4096x8xf32> to vector<4096xf32>
    %broadcast_in_dim3A_112 = vector.shape_cast %reduce_sum3A_111 : vector<4096xf32> to vector<4096x1xf32>
    %convert_element_type3A_113 = arith.fptosi %add3A_43 : vector<1x8xf32> to vector<1x8xi32>
    %add3A_114 = arith.constant 255 : i32
    %add3A_115 = vector.broadcast %add3A_114 : i32 to vector<1x8xi32>
    %add3A_116 = arith.addi %convert_element_type3A_113, %add3A_115 : vector<1x8xi32>
    %jit3A_117 = arith.constant 256 : i32
    %div3A_118 = vector.broadcast %jit3A_117 : i32 to vector<1x8xi32>
    %div3A_119 = arith.divsi %add3A_116, %div3A_118 : vector<1x8xi32>
    %sign3A = arith.constant 0 : i32
    %sign3A_120 = vector.broadcast %sign3A : i32 to vector<1x8xi32>
    %sign3A_121 = arith.cmpi sgt, %add3A_116, %sign3A_120 : vector<1x8xi32>
    %sign3A_122 = arith.extui %sign3A_121 : vector<1x8xi1> to vector<1x8xi32>
    %sign3A_123 = arith.constant 0 : i32
    %sign3A_124 = vector.broadcast %sign3A_123 : i32 to vector<1x8xi32>
    %sign3A_125 = arith.cmpi slt, %add3A_116, %sign3A_124 : vector<1x8xi32>
    %sign3A_126 = arith.extui %sign3A_125 : vector<1x8xi1> to vector<1x8xi32>
    %sign3A_127 = arith.subi %sign3A_122, %sign3A_126 : vector<1x8xi32>
    %sign3A_128 = arith.constant 0 : i32
    %sign3A_129 = arith.cmpi sgt, %jit3A_117, %sign3A_128 : i32
    %sign3A_130 = arith.extui %sign3A_129 : i1 to i32
    %sign3A_131 = arith.constant 0 : i32
    %sign3A_132 = arith.cmpi slt, %jit3A_117, %sign3A_131 : i32
    %sign3A_133 = arith.extui %sign3A_132 : i1 to i32
    %sign3A_134 = arith.subi %sign3A_130, %sign3A_133 : i32
    %ne3A = vector.broadcast %sign3A_134 : i32 to vector<1x8xi32>
    %ne3A_135 = arith.cmpi ne, %sign3A_127, %ne3A : vector<1x8xi32>
    %rem3A = vector.broadcast %jit3A_117 : i32 to vector<1x8xi32>
    %rem3A_136 = arith.remsi %add3A_116, %rem3A : vector<1x8xi32>
    %ne3A_137 = arith.constant 0 : i32
    %ne3A_138 = vector.broadcast %ne3A_137 : i32 to vector<1x8xi32>
    %ne3A_139 = arith.cmpi ne, %rem3A_136, %ne3A_138 : vector<1x8xi32>
    %and3A = arith.andi %ne3A_135, %ne3A_139 : vector<1x8xi1>
    %sub3A_140 = arith.constant 1 : i32
    %sub3A_141 = vector.broadcast %sub3A_140 : i32 to vector<1x8xi32>
    %sub3A_142 = arith.subi %div3A_119, %sub3A_141 : vector<1x8xi32>
    %select_n3A_143 = arith.select %and3A, %sub3A_142, %div3A_119 : vector<1x8xi1>, vector<1x8xi32>
    %convert_element_type3A_144 = arith.sitofp %select_n3A_143 : vector<1x8xi32> to vector<1x8xf32>
    %broadcast_in_dim3A_145 = arith.constant 0.000000e+00 : f32
    %broadcast_in_dim3A_146 = vector.broadcast %broadcast_in_dim3A_145 : f32 to vector<1x1xf32>
    %slice3A_147 = vector.extract_strided_slice %convert_element_type3A_144 {offsets = [0, 0], sizes = [1, 7], strides = [1, 1]} : vector<1x8xf32> to vector<1x7xf32>
    %concatenate3A_148 = tpu.concatenate %broadcast_in_dim3A_146, %slice3A_147 in 1 : vector<1x1xf32>, vector<1x7xf32> -> vector<1x8xf32>
    %add3A_149 = arith.addf %convert_element_type3A_144, %concatenate3A_148 : vector<1x8xf32>
    %broadcast_in_dim3A_150 = arith.constant 0.000000e+00 : f32
    %broadcast_in_dim3A_151 = vector.broadcast %broadcast_in_dim3A_150 : f32 to vector<1x2xf32>
    %slice3A_152 = vector.extract_strided_slice %add3A_149 {offsets = [0, 0], sizes = [1, 6], strides = [1, 1]} : vector<1x8xf32> to vector<1x6xf32>
    %concatenate3A_153 = tpu.concatenate %broadcast_in_dim3A_151, %slice3A_152 in 1 : vector<1x2xf32>, vector<1x6xf32> -> vector<1x8xf32>
    %add3A_154 = arith.addf %add3A_149, %concatenate3A_153 : vector<1x8xf32>
    %broadcast_in_dim3A_155 = arith.constant 0.000000e+00 : f32
    %broadcast_in_dim3A_156 = vector.broadcast %broadcast_in_dim3A_155 : f32 to vector<1x4xf32>
    %slice3A_157 = vector.extract_strided_slice %add3A_154 {offsets = [0, 0], sizes = [1, 4], strides = [1, 1]} : vector<1x8xf32> to vector<1x4xf32>
    %concatenate3A_158 = tpu.concatenate %broadcast_in_dim3A_156, %slice3A_157 in 1 : vector<1x4xf32>, vector<1x4xf32> -> vector<1x8xf32>
    %add3A_159 = arith.addf %add3A_154, %concatenate3A_158 : vector<1x8xf32>
    %sub3A_160 = arith.subf %add3A_159, %convert_element_type3A_144 : vector<1x8xf32>
    %mul3A_161 = arith.constant 2.560000e+02 : f32
    %mul3A_162 = vector.broadcast %mul3A_161 : f32 to vector<1x8xf32>
    %mul3A_163 = arith.mulf %sub3A_160, %mul3A_162 : vector<1x8xf32>
    %mul3A_164 = vector.broadcast %mul3A_163 : vector<1x8xf32> to vector<4096x8xf32>
    %mul3A_165 = arith.mulf %convert_element_type3A_35, %mul3A_164 : vector<4096x8xf32>
    %reduce_sum3A_166 = arith.constant dense<0.000000e+00> : vector<4096xf32>
    %reduce_sum3A_167 = vector.multi_reduction <add>, %mul3A_165, %reduce_sum3A_166 [1] : vector<4096x8xf32> to vector<4096xf32>
    %broadcast_in_dim3A_168 = vector.shape_cast %reduce_sum3A_167 : vector<4096xf32> to vector<4096x1xf32>
    %add3A_169 = arith.addf %broadcast_in_dim3A_168, %broadcast_in_dim3A_108 : vector<4096x1xf32>
    %add3A_170 = arith.addf %mul3A_163, %broadcast_in_dim3A_39 : vector<1x8xf32>
    %mul3A_171 = vector.broadcast %add3A_170 : vector<1x8xf32> to vector<4096x8xf32>
    %mul3A_172 = arith.mulf %convert_element_type3A_37, %mul3A_171 : vector<4096x8xf32>
    %reduce_sum3A_173 = arith.constant dense<0.000000e+00> : vector<4096xf32>
    %reduce_sum3A_174 = vector.multi_reduction <add>, %mul3A_172, %reduce_sum3A_173 [1] : vector<4096x8xf32> to vector<4096xf32>
    %broadcast_in_dim3A_175 = vector.shape_cast %reduce_sum3A_174 : vector<4096xf32> to vector<4096x1xf32>
    %add3A_176 = arith.addf %broadcast_in_dim3A_175, %broadcast_in_dim3A_112 : vector<4096x1xf32>
    %concatenate3A_177 = tpu.concatenate %add3A_169, %add3A_176 in 1 : vector<4096x1xf32>, vector<4096x1xf32> -> vector<4096x2xf32>
    %convert_element_type3A_178 = arith.fptosi %concatenate3A_177 : vector<4096x2xf32> to vector<4096x2xi32>
    %swap3A = arith.constant 0 : index
    %swap3A_179 = arith.constant 0 : index
    %swap3A_180 = vector.load %arg2[%swap3A, %swap3A_179] : memref<4096x2xi32, #tpu.memory_space<vmem>>, vector<4096x2xi32>
    tpu.vector_store %arg2[%swap3A, %swap3A_179], %convert_element_type3A_178 {strides = array<i32>} : memref<4096x2xi32, #tpu.memory_space<vmem>>, vector<4096x2xi32>,
    %concatenate3A_181 = tpu.concatenate %div3A_32, %div3A_33 in 1 : vector<4096x1xf32>, vector<4096x1xf32> -> vector<4096x2xf32>
    %swap3A_182 = arith.constant 0 : index
    %swap3A_183 = arith.constant 0 : index
    %swap3A_184 = vector.load %arg3[%swap3A_182, %swap3A_183] : memref<4096x2xf32, #tpu.memory_space<vmem>>, vector<4096x2xf32>
    tpu.vector_store %arg3[%swap3A_182, %swap3A_183], %concatenate3A_181 {strides = array<i32>} : memref<4096x2xf32, #tpu.memory_space<vmem>>, vector<4096x2xf32>,
    %iota3A_185 = tpu.iota {dimensions = array<i32: 0>} : vector<128x8xi32>
    %convert_element_type3A_186 = arith.sitofp %iota3A_185 : vector<128x8xi32> to vector<128x8xf32>
    %ge3A = vector.broadcast %sub3A_160 : vector<1x8xf32> to vector<128x8xf32>
    %ge3A_187 = arith.cmpf oge, %convert_element_type3A_186, %ge3A : vector<128x8xf32>
    %convert_element_type3A_188 = arith.extui %ge3A_187 : vector<128x8xi1> to vector<128x8xi32>
    %convert_element_type3A_189 = arith.sitofp %convert_element_type3A_188 : vector<128x8xi32> to vector<128x8xf32>
    %reduce_sum3A_190 = arith.constant dense<0.000000e+00> : vector<128xf32>
    %reduce_sum3A_191 = vector.multi_reduction <add>, %convert_element_type3A_189, %reduce_sum3A_190 [1] : vector<128x8xf32> to vector<128xf32>
    %broadcast_in_dim3A_192 = vector.shape_cast %reduce_sum3A_191 : vector<128xf32> to vector<128x1xf32>
    %sub3A_193 = arith.constant 1.000000e+00 : f32
    %sub3A_194 = vector.broadcast %sub3A_193 : f32 to vector<128x1xf32>
    %sub3A_195 = arith.subf %broadcast_in_dim3A_192, %sub3A_194 : vector<128x1xf32>
    %convert_element_type3A_196 = arith.fptosi %sub3A_195 : vector<128x1xf32> to vector<128x1xi32>
    %swap3A_197 = arith.constant 0 : index
    %swap3A_198 = arith.constant 0 : index
    %swap3A_199 = vector.load %arg4[%swap3A_197, %swap3A_198] : memref<128x1xi32, #tpu.memory_space<vmem>>, vector<128x1xi32>
    tpu.vector_store %arg4[%swap3A_197, %swap3A_198], %convert_element_type3A_196 {strides = array<i32>} : memref<128x1xi32, #tpu.memory_space<vmem>>, vector<128x1xi32>,
    %reduce_sum3A_200 = vector.shape_cast %convert_element_type3A_144 : vector<1x8xf32> to vector<1x1x8xf32>
    %reduce_sum3A_201 = arith.constant dense<0.000000e+00> : vector<1xf32>
    %reduce_sum3A_202 = vector.multi_reduction <add>, %reduce_sum3A_200, %reduce_sum3A_201 [1, 2] : vector<1x1x8xf32> to vector<1xf32>
    %reduce_sum3A_203 = vector.shape_cast %reduce_sum3A_202 : vector<1xf32> to vector<1x1x1xf32>
    %reduce_sum3A_204 = vector.extract %reduce_sum3A_203[0, 0, 0] : f32 from vector<1x1x1xf32>
    %reshape3A = vector.broadcast %reduce_sum3A_204 : f32 to vector<1x1xf32>
    %convert_element_type3A_205 = arith.fptosi %reshape3A : vector<1x1xf32> to vector<1x1xi32>
    %swap3A_206 = arith.constant 0 : index
    %swap3A_207 = arith.constant 0 : index
    %swap3A_208 = vector.load %arg5[%swap3A_206, %swap3A_207] : memref<1x1xi32, #tpu.memory_space<vmem>>, vector<1x1xi32>
    tpu.vector_store %arg5[%swap3A_206, %swap3A_207], %convert_element_type3A_205 {strides = array<i32>} : memref<1x1xi32, #tpu.memory_space<vmem>>, vector<1x1xi32>,
    %gt3A = arith.constant 0.000000e+00 : f32
    %gt3A_209 = vector.broadcast %gt3A : f32 to vector<4096x1xf32>
    %gt3A_210 = arith.cmpf ogt, %div3A_32, %gt3A_209 : vector<4096x1xf32>
    %convert_element_type3A_211 = arith.extui %gt3A_210 : vector<4096x1xi1> to vector<4096x1xi32>
    %convert_element_type3A_212 = arith.sitofp %convert_element_type3A_211 : vector<4096x1xi32> to vector<4096x1xf32>
    %gt3A_213 = arith.constant 0.000000e+00 : f32
    %gt3A_214 = vector.broadcast %gt3A_213 : f32 to vector<4096x1xf32>
    %gt3A_215 = arith.cmpf ogt, %div3A_33, %gt3A_214 : vector<4096x1xf32>
    %convert_element_type3A_216 = arith.extui %gt3A_215 : vector<4096x1xi1> to vector<4096x1xi32>
    %convert_element_type3A_217 = arith.sitofp %convert_element_type3A_216 : vector<4096x1xi32> to vector<4096x1xf32>
    %mul3A_218 = vector.broadcast %convert_element_type3A_212 : vector<4096x1xf32> to vector<4096x8xf32>
    %mul3A_219 = arith.mulf %convert_element_type3A_35, %mul3A_218 : vector<4096x8xf32>
    %reduce_sum3A_220 = arith.constant dense<0.000000e+00> : vector<8xf32>
    %reduce_sum3A_221 = vector.multi_reduction <add>, %mul3A_219, %reduce_sum3A_220 [0] : vector<4096x8xf32> to vector<8xf32>
    %broadcast_in_dim3A_222 = vector.shape_cast %reduce_sum3A_221 : vector<8xf32> to vector<1x8xf32>
    %mul3A_223 = vector.broadcast %convert_element_type3A_217 : vector<4096x1xf32> to vector<4096x8xf32>
    %mul3A_224 = arith.mulf %convert_element_type3A_37, %mul3A_223 : vector<4096x8xf32>
    %reduce_sum3A_225 = arith.constant dense<0.000000e+00> : vector<8xf32>
    %reduce_sum3A_226 = vector.multi_reduction <add>, %mul3A_224, %reduce_sum3A_225 [0] : vector<4096x8xf32> to vector<8xf32>
    %broadcast_in_dim3A_227 = vector.shape_cast %reduce_sum3A_226 : vector<8xf32> to vector<1x8xf32>
    %add3A_228 = arith.addf %broadcast_in_dim3A_222, %broadcast_in_dim3A_227 : vector<1x8xf32>
    %mul3A_229 = vector.broadcast %div3A_32 : vector<4096x1xf32> to vector<4096x8xf32>
    %mul3A_230 = arith.mulf %convert_element_type3A_35, %mul3A_229 : vector<4096x8xf32>
    %mul3A_231 = vector.broadcast %div3A_33 : vector<4096x1xf32> to vector<4096x8xf32>
    %mul3A_232 = arith.mulf %convert_element_type3A_37, %mul3A_231 : vector<4096x8xf32>
    %add3A_233 = arith.addf %mul3A_230, %mul3A_232 : vector<4096x8xf32>
    %reduce_sum3A_234 = arith.constant dense<0.000000e+00> : vector<8xf32>
    %reduce_sum3A_235 = vector.multi_reduction <add>, %add3A_233, %reduce_sum3A_234 [0] : vector<4096x8xf32> to vector<8xf32>
    %broadcast_in_dim3A_236 = vector.shape_cast %reduce_sum3A_235 : vector<8xf32> to vector<1x8xf32>
    %reduce_sum3A_237 = vector.shape_cast %add3A_228 : vector<1x8xf32> to vector<1x1x8xf32>
    %reduce_sum3A_238 = arith.constant dense<0.000000e+00> : vector<1xf32>
    %reduce_sum3A_239 = vector.multi_reduction <add>, %reduce_sum3A_237, %reduce_sum3A_238 [1, 2] : vector<1x1x8xf32> to vector<1xf32>
    %reduce_sum3A_240 = vector.shape_cast %reduce_sum3A_239 : vector<1xf32> to vector<1x1x1xf32>
    %reduce_sum3A_241 = vector.extract %reduce_sum3A_240[0, 0, 0] : f32 from vector<1x1x1xf32>
    %div3A_242 = vector.broadcast %reduce_sum3A_241 : f32 to vector<1x8xf32>
    %div3A_243 = arith.divf %add3A_228, %div3A_242 : vector<1x8xf32>
    %max3A = arith.constant 1.000000e+00 : f32
    %max3A_244 = vector.broadcast %max3A : f32 to vector<1x8xf32>
    %max3A_245 = arith.maximumf %add3A_228, %max3A_244 : vector<1x8xf32>
    %div3A_246 = arith.divf %broadcast_in_dim3A_236, %max3A_245 : vector<1x8xf32>
    %mul3A_247 = arith.mulf %div3A_243, %div3A_246 : vector<1x8xf32>
    %reduce_sum3A_248 = vector.shape_cast %mul3A_247 : vector<1x8xf32> to vector<1x1x8xf32>
    %reduce_sum3A_249 = arith.constant dense<0.000000e+00> : vector<1xf32>
    %reduce_sum3A_250 = vector.multi_reduction <add>, %reduce_sum3A_248, %reduce_sum3A_249 [1, 2] : vector<1x1x8xf32> to vector<1xf32>
    %reduce_sum3A_251 = vector.shape_cast %reduce_sum3A_250 : vector<1xf32> to vector<1x1x1xf32>
    %reduce_sum3A_252 = vector.extract %reduce_sum3A_251[0, 0, 0] : f32 from vector<1x1x1xf32>
    %div3A_253 = arith.constant 8.000000e+00 : f32
    %div3A_254 = arith.divf %reduce_sum3A_252, %div3A_253 : f32
    %mul3A_255 = arith.constant 2.000000e-02 : f32
    %mul3A_256 = arith.mulf %mul3A_255, %div3A_254 : f32
    %reshape3A_257 = vector.broadcast %mul3A_256 : f32 to vector<1x1xf32>
    %swap3A_258 = arith.constant 0 : index
    %swap3A_259 = arith.constant 0 : index
    %swap3A_260 = vector.load %arg6[%swap3A_258, %swap3A_259] : memref<1x1xf32, #tpu.memory_space<vmem>>, vector<1x1xf32>
    tpu.vector_store %arg6[%swap3A_258, %swap3A_259], %reshape3A_257 {strides = array<i32>} : memref<1x1xf32, #tpu.memory_space<vmem>>, vector<1x1xf32>,
    return
  }
}

module attributes {stable_mosaic.version = 14 : i64} {
  func.func @_l2_body(%arg0: i32, %arg1: memref<128xi32, #tpu.memory_space<smem>>, %arg2: memref<1xi32, #tpu.memory_space<smem>>, %arg3: memref<256x3072xf32, #tpu.memory_space<vmem>>, %arg4: memref<1x2048x3072xf32, #tpu.memory_space<vmem>>, %arg5: memref<1x1x2048xf32, #tpu.memory_space<vmem>>, %arg6: memref<256x2048xf32, #tpu.memory_space<vmem>>) attributes {dimension_semantics = [#tpu.dimension_semantics<arbitrary>], iteration_bounds = array<i64: 40>, scalar_prefetch = 2 : i64, scratch_operands = 0 : i64, tpu.core_type = #tpu.core_type<tc>, window_params = [{transform_indices = @transform_0, window_bounds = array<i64: 256, 3072>}, {transform_indices = @transform_1, window_bounds = array<i64: 1, 2048, 3072>}, {transform_indices = @transform_2, window_bounds = array<i64: 1, 1, 2048>}, {transform_indices = @transform_3, window_bounds = array<i64: 256, 2048>}]} {
    %get3A = arith.constant 0 : index
    %get3A_0 = memref.load %arg2[%get3A] : memref<1xi32, #tpu.memory_space<smem>>
    %lt3A = arith.cmpi slt, %arg0, %get3A_0 : i32
    %convert_element_type3A = arith.extui %lt3A : i1 to i32
    %cond3A = arith.constant 0 : i32
    %cond3A_1 = arith.cmpi ne, %convert_element_type3A, %cond3A : i32
    scf.if %cond3A_1 {
      %get3A_2 = arith.constant 0 : index
      %get3A_3 = arith.constant 0 : index
      %get3A_4 = vector.load %arg3[%get3A_2, %get3A_3] : memref<256x3072xf32, #tpu.memory_space<vmem>>, vector<256x3072xf32>
      %get3A_5 = arith.constant 0 : index
      %get3A_6 = arith.constant 0 : index
      %get3A_7 = arith.constant 0 : index
      %get3A_8 = vector.load %arg4[%get3A_5, %get3A_6, %get3A_7] : memref<1x2048x3072xf32, #tpu.memory_space<vmem>>, vector<1x2048x3072xf32>
      %get3A_9 = vector.shape_cast %get3A_8 : vector<1x2048x3072xf32> to vector<2048x3072xf32>
      %dot_general3A = arith.constant dense<0.000000e+00> : vector<256x2048xf32>
      %dot_general3A_10 = tpu.matmul %get3A_4, %get3A_9, %dot_general3A {dimension_numbers = #tpu.dot_dimension_numbers<[1], [1], [0], [0], [0, 0, 1, 0], [], []>, transpose_lhs_hint = false} : vector<256x3072xf32>, vector<2048x3072xf32>, vector<256x2048xf32> -> vector<256x2048xf32>
      %get3A_11 = arith.constant 0 : index
      %get3A_12 = arith.constant 0 : index
      %get3A_13 = arith.constant 0 : index
      %get3A_14 = vector.load %arg5[%get3A_11, %get3A_12, %get3A_13] : memref<1x1x2048xf32, #tpu.memory_space<vmem>>, vector<1x1x2048xf32>
      %get3A_15 = vector.shape_cast %get3A_14 : vector<1x1x2048xf32> to vector<1x2048xf32>
      %add3A = vector.broadcast %get3A_15 : vector<1x2048xf32> to vector<256x2048xf32>
      %add3A_16 = arith.addf %dot_general3A_10, %add3A : vector<256x2048xf32>
      %swap3A = arith.constant 0 : index
      %swap3A_17 = arith.constant 0 : index
      %swap3A_18 = vector.load %arg6[%swap3A, %swap3A_17] : memref<256x2048xf32, #tpu.memory_space<vmem>>, vector<256x2048xf32>
      tpu.vector_store %arg6[%swap3A, %swap3A_17], %add3A_16 {strides = array<i32>} : memref<256x2048xf32, #tpu.memory_space<vmem>>, vector<256x2048xf32>,
    } else {
    }
    return
  }
  func.func @transform_0(%arg0: i32, %arg1: memref<128xi32, #tpu.memory_space<smem>>, %arg2: memref<1xi32, #tpu.memory_space<smem>>) -> (i32, i32) {
    %c0_i32 = arith.constant 0 : i32
    %c0_i32_0 = arith.constant 0 : i32
    return %arg0, %c0_i32 : i32, i32
  }
  func.func @transform_1(%arg0: i32, %arg1: memref<128xi32, #tpu.memory_space<smem>>, %arg2: memref<1xi32, #tpu.memory_space<smem>>) -> (i32, i32, i32) {
    %get3A = arith.index_cast %arg0 : i32 to index
    %get3A_0 = memref.load %arg1[%get3A] : memref<128xi32, #tpu.memory_space<smem>>
    %c0_i32 = arith.constant 0 : i32
    %c0_i32_1 = arith.constant 0 : i32
    %c0_i32_2 = arith.constant 0 : i32
    return %get3A_0, %c0_i32, %c0_i32_1 : i32, i32, i32
  }
  func.func @transform_2(%arg0: i32, %arg1: memref<128xi32, #tpu.memory_space<smem>>, %arg2: memref<1xi32, #tpu.memory_space<smem>>) -> (i32, i32, i32) {
    %get3A = arith.index_cast %arg0 : i32 to index
    %get3A_0 = memref.load %arg1[%get3A] : memref<128xi32, #tpu.memory_space<smem>>
    %c0_i32 = arith.constant 0 : i32
    %c0_i32_1 = arith.constant 0 : i32
    %c0_i32_2 = arith.constant 0 : i32
    return %get3A_0, %c0_i32, %c0_i32_1 : i32, i32, i32
  }
  func.func @transform_3(%arg0: i32, %arg1: memref<128xi32, #tpu.memory_space<smem>>, %arg2: memref<1xi32, #tpu.memory_space<smem>>) -> (i32, i32) {
    %c0_i32 = arith.constant 0 : i32
    %c0_i32_0 = arith.constant 0 : i32
    return %arg0, %c0_i32 : i32, i32
  }
}

module attributes {stable_mosaic.version = 14 : i64} {
  func.func @_l1_body(%arg0: i32, %arg1: memref<128xi32, #tpu.memory_space<smem>>, %arg2: memref<1xi32, #tpu.memory_space<smem>>, %arg3: memref<256x2048xf32, #tpu.memory_space<vmem>>, %arg4: memref<1x3072x2048xf32, #tpu.memory_space<vmem>>, %arg5: memref<1x1x3072xf32, #tpu.memory_space<vmem>>, %arg6: memref<256x3072xf32, #tpu.memory_space<vmem>>) attributes {dimension_semantics = [#tpu.dimension_semantics<arbitrary>], iteration_bounds = array<i64: 40>, scalar_prefetch = 2 : i64, scratch_operands = 0 : i64, tpu.core_type = #tpu.core_type<tc>, window_params = [{transform_indices = @transform_0, window_bounds = array<i64: 256, 2048>}, {transform_indices = @transform_1, window_bounds = array<i64: 1, 3072, 2048>}, {transform_indices = @transform_2, window_bounds = array<i64: 1, 1, 3072>}, {transform_indices = @transform_3, window_bounds = array<i64: 256, 3072>}]} {
    %get3A = arith.constant 0 : index
    %get3A_0 = memref.load %arg2[%get3A] : memref<1xi32, #tpu.memory_space<smem>>
    %lt3A = arith.cmpi slt, %arg0, %get3A_0 : i32
    %convert_element_type3A = arith.extui %lt3A : i1 to i32
    %cond3A = arith.constant 0 : i32
    %cond3A_1 = arith.cmpi ne, %convert_element_type3A, %cond3A : i32
    scf.if %cond3A_1 {
      %get3A_2 = arith.constant 0 : index
      %get3A_3 = arith.constant 0 : index
      %get3A_4 = vector.load %arg3[%get3A_2, %get3A_3] : memref<256x2048xf32, #tpu.memory_space<vmem>>, vector<256x2048xf32>
      %get3A_5 = arith.constant 0 : index
      %get3A_6 = arith.constant 0 : index
      %get3A_7 = arith.constant 0 : index
      %get3A_8 = vector.load %arg4[%get3A_5, %get3A_6, %get3A_7] : memref<1x3072x2048xf32, #tpu.memory_space<vmem>>, vector<1x3072x2048xf32>
      %get3A_9 = vector.shape_cast %get3A_8 : vector<1x3072x2048xf32> to vector<3072x2048xf32>
      %dot_general3A = arith.constant dense<0.000000e+00> : vector<256x3072xf32>
      %dot_general3A_10 = tpu.matmul %get3A_4, %get3A_9, %dot_general3A {dimension_numbers = #tpu.dot_dimension_numbers<[1], [1], [0], [0], [0, 0, 1, 0], [], []>, transpose_lhs_hint = false} : vector<256x2048xf32>, vector<3072x2048xf32>, vector<256x3072xf32> -> vector<256x3072xf32>
      %get3A_11 = arith.constant 0 : index
      %get3A_12 = arith.constant 0 : index
      %get3A_13 = arith.constant 0 : index
      %get3A_14 = vector.load %arg5[%get3A_11, %get3A_12, %get3A_13] : memref<1x1x3072xf32, #tpu.memory_space<vmem>>, vector<1x1x3072xf32>
      %get3A_15 = vector.shape_cast %get3A_14 : vector<1x1x3072xf32> to vector<1x3072xf32>
      %add3A = vector.broadcast %get3A_15 : vector<1x3072xf32> to vector<256x3072xf32>
      %add3A_16 = arith.addf %dot_general3A_10, %add3A : vector<256x3072xf32>
      %mul3A = arith.constant 5.000000e-01 : f32
      %mul3A_17 = vector.broadcast %mul3A : f32 to vector<256x3072xf32>
      %mul3A_18 = arith.mulf %mul3A_17, %add3A_16 : vector<256x3072xf32>
      %sqrt3A = arith.constant 0.636619746 : f32
      %sqrt3A_19 = math.sqrt %sqrt3A : f32
      %integer_pow3A = arith.mulf %add3A_16, %add3A_16 : vector<256x3072xf32>
      %integer_pow3A_20 = arith.mulf %add3A_16, %integer_pow3A : vector<256x3072xf32>
      %mul3A_21 = arith.constant 4.471500e-02 : f32
      %mul3A_22 = vector.broadcast %mul3A_21 : f32 to vector<256x3072xf32>
      %mul3A_23 = arith.mulf %mul3A_22, %integer_pow3A_20 : vector<256x3072xf32>
      %add3A_24 = arith.addf %add3A_16, %mul3A_23 : vector<256x3072xf32>
      %mul3A_25 = vector.broadcast %sqrt3A_19 : f32 to vector<256x3072xf32>
      %mul3A_26 = arith.mulf %mul3A_25, %add3A_24 : vector<256x3072xf32>
      %tanh3A = math.tanh %mul3A_26 : vector<256x3072xf32>
      %add3A_27 = arith.constant 1.000000e+00 : f32
      %add3A_28 = vector.broadcast %add3A_27 : f32 to vector<256x3072xf32>
      %add3A_29 = arith.addf %add3A_28, %tanh3A : vector<256x3072xf32>
      %mul3A_30 = arith.mulf %mul3A_18, %add3A_29 : vector<256x3072xf32>
      %swap3A = arith.constant 0 : index
      %swap3A_31 = arith.constant 0 : index
      %swap3A_32 = vector.load %arg6[%swap3A, %swap3A_31] : memref<256x3072xf32, #tpu.memory_space<vmem>>, vector<256x3072xf32>
      tpu.vector_store %arg6[%swap3A, %swap3A_31], %mul3A_30 {strides = array<i32>} : memref<256x3072xf32, #tpu.memory_space<vmem>>, vector<256x3072xf32>,
    } else {
    }
    return
  }
  func.func @transform_0(%arg0: i32, %arg1: memref<128xi32, #tpu.memory_space<smem>>, %arg2: memref<1xi32, #tpu.memory_space<smem>>) -> (i32, i32) {
    %c0_i32 = arith.constant 0 : i32
    %c0_i32_0 = arith.constant 0 : i32
    return %arg0, %c0_i32 : i32, i32
  }
  func.func @transform_1(%arg0: i32, %arg1: memref<128xi32, #tpu.memory_space<smem>>, %arg2: memref<1xi32, #tpu.memory_space<smem>>) -> (i32, i32, i32) {
    %get3A = arith.index_cast %arg0 : i32 to index
    %get3A_0 = memref.load %arg1[%get3A] : memref<128xi32, #tpu.memory_space<smem>>
    %c0_i32 = arith.constant 0 : i32
    %c0_i32_1 = arith.constant 0 : i32
    %c0_i32_2 = arith.constant 0 : i32
    return %get3A_0, %c0_i32, %c0_i32_1 : i32, i32, i32
  }
  func.func @transform_2(%arg0: i32, %arg1: memref<128xi32, #tpu.memory_space<smem>>, %arg2: memref<1xi32, #tpu.memory_space<smem>>) -> (i32, i32, i32) {
    %get3A = arith.index_cast %arg0 : i32 to index
    %get3A_0 = memref.load %arg1[%get3A] : memref<128xi32, #tpu.memory_space<smem>>
    %c0_i32 = arith.constant 0 : i32
    %c0_i32_1 = arith.constant 0 : i32
    %c0_i32_2 = arith.constant 0 : i32
    return %get3A_0, %c0_i32, %c0_i32_1 : i32, i32, i32
  }
  func.func @transform_3(%arg0: i32, %arg1: memref<128xi32, #tpu.memory_space<smem>>, %arg2: memref<1xi32, #tpu.memory_space<smem>>) -> (i32, i32) {
    %c0_i32 = arith.constant 0 : i32
    %c0_i32_0 = arith.constant 0 : i32
    return %arg0, %c0_i32 : i32, i32
  }
}

module attributes {stable_mosaic.version = 14 : i64} {
  func.func @_combine_body(%arg0: i32, %arg1: memref<512x2048xf32, #tpu.memory_space<vmem>>, %arg2: memref<512x2048xf32, #tpu.memory_space<vmem>>, %arg3: memref<512x2xf32, #tpu.memory_space<vmem>>, %arg4: memref<512x2048xf32, #tpu.memory_space<vmem>>) attributes {dimension_semantics = [#tpu.dimension_semantics<arbitrary>], iteration_bounds = array<i64: 8>, scalar_prefetch = 0 : i64, scratch_operands = 0 : i64, tpu.core_type = #tpu.core_type<tc>, window_params = [{transform_indices = @transform_0, window_bounds = array<i64: 512, 2048>}, {transform_indices = @transform_1, window_bounds = array<i64: 512, 2048>}, {transform_indices = @transform_2, window_bounds = array<i64: 512, 2>}, {transform_indices = @transform_3, window_bounds = array<i64: 512, 2048>}]} {
    %get3A = arith.constant 0 : index
    %get3A_0 = arith.constant 0 : index
    %get3A_1 = vector.load %arg1[%get3A, %get3A_0] : memref<512x2048xf32, #tpu.memory_space<vmem>>, vector<512x2048xf32>
    %get3A_2 = arith.constant 0 : index
    %get3A_3 = arith.constant 0 : index
    %get3A_4 = vector.load %arg3[%get3A_2, %get3A_3] : memref<512x2xf32, #tpu.memory_space<vmem>>, vector<512x1xf32>
    %mul3A = vector.broadcast %get3A_4 : vector<512x1xf32> to vector<512x2048xf32>
    %mul3A_5 = arith.mulf %get3A_1, %mul3A : vector<512x2048xf32>
    %get3A_6 = arith.constant 0 : index
    %get3A_7 = arith.constant 0 : index
    %get3A_8 = vector.load %arg2[%get3A_6, %get3A_7] : memref<512x2048xf32, #tpu.memory_space<vmem>>, vector<512x2048xf32>
    %get3A_9 = arith.constant 0 : index
    %get3A_10 = arith.constant 1 : index
    %get3A_11 = vector.load %arg3[%get3A_9, %get3A_10] : memref<512x2xf32, #tpu.memory_space<vmem>>, vector<512x1xf32>
    %mul3A_12 = vector.broadcast %get3A_11 : vector<512x1xf32> to vector<512x2048xf32>
    %mul3A_13 = arith.mulf %get3A_8, %mul3A_12 : vector<512x2048xf32>
    %add3A = arith.addf %mul3A_5, %mul3A_13 : vector<512x2048xf32>
    %swap3A = arith.constant 0 : index
    %swap3A_14 = arith.constant 0 : index
    %swap3A_15 = vector.load %arg4[%swap3A, %swap3A_14] : memref<512x2048xf32, #tpu.memory_space<vmem>>, vector<512x2048xf32>
    tpu.vector_store %arg4[%swap3A, %swap3A_14], %add3A {strides = array<i32>} : memref<512x2048xf32, #tpu.memory_space<vmem>>, vector<512x2048xf32>,
    return
  }
  func.func @transform_0(%arg0: i32) -> (i32, i32) {
    %c0_i32 = arith.constant 0 : i32
    %c0_i32_0 = arith.constant 0 : i32
    return %arg0, %c0_i32 : i32, i32
  }
  func.func @transform_1(%arg0: i32) -> (i32, i32) {
    %c0_i32 = arith.constant 0 : i32
    %c0_i32_0 = arith.constant 0 : i32
    return %arg0, %c0_i32 : i32, i32
  }
  func.func @transform_2(%arg0: i32) -> (i32, i32) {
    %c0_i32 = arith.constant 0 : i32
    %c0_i32_0 = arith.constant 0 : i32
    return %arg0, %c0_i32 : i32, i32
  }
  func.func @transform_3(%arg0: i32) -> (i32, i32) {
    %c0_i32 = arith.constant 0 : i32
    %c0_i32_0 = arith.constant 0 : i32
    return %arg0, %c0_i32 : i32, i32
  }
}

</mosaic_0001>

<sc_bundles>
// kernel: kernel.11.cloned.1.call-start
scs
__scs_entry_jumppad:
0x0: {  	(pc) =	sbr.rel $0x88, $3  }
0x1: {  	(tag) =	ssettag $0x0;
	lr =	simm.s32 $0x1  }
0x2: {  	[smem:$0x3F9B] =	sst lr;
	_ =	strace $0xD0000000  }
0x3: {  	_ = 	snop  }
0x4: {  	_ = 	snop  }
0x5: {  	_ = 	snop  }
0x6: {  	_ = 	snop  }
0x7: {  	_ = 	snop  }
__scs_overlays_trampoline_lowered:
0x8: {  	[smem:$0x3FAA] =	sst s0  }
0x9: {  	[smem:$0x3FAB] =	sst s1  }
0xa: {  	[smem:$0x3FAC] =	sst s2  }
0xb: {  	[smem:$0x3FAD] =	sst s3  }
0xc: {  	[smem:$0x3FAE] =	sst s4  }
0xd: {  	[smem:$0x3FAF] =	sst s5  }
0xe: {  	[smem:$0x3FB0] =	sst s6  }
0xf: {  	[smem:$0x3FB1] =	sst s7  }
0x10: {  	[smem:$0x3FB2] =	sst s8  }
0x11: {  	[smem:$0x3FB3] =	sst s9;
	s0 =	simm.s32 @!p0 $0x0  }
0x12: {  	s1 =	sld [smem:$0x3F99];
	s0 =	simm.s32 @p0 $0x1  }
0x13: {  	[smem:$0x3FB4] =	sst s0;
	s0 =	simm.s32 @!p1 $0x0  }
0x14: {  	s2 =	sld [smem:$0x3F98];
	s0 =	simm.s32 @p1 $0x1  }
0x15: {  	[smem:$0x3FB5] =	sst s0;
	s0 =	simm.s32 @!p2 $0x0  }
0x16: {  	s3 =	sld [smem:$0x3FDB];
	s0 =	simm.s32 @p2 $0x1  }
0x17: {  	s4 =	simm.s32 $0x1BF5;
	[smem:$0x3FB7] =	sst s0  }
0x18: {  	s0 =	sld [smem:$0x3F9A];
	_ =	swait.ge [sflag:s4], $0x0  }
0x19: {  	s7 =	sld [smem:$0x3F9B]  }
0x1a: {  	s8 =	sadd.s32 $0xFFFFE003, lr  }
0x1b: {  	s9 =	sadd.s32 $0xFFFFFEF7, lr;
	s5 =	simm.s32 $0xFFFFFFFF;
	p2 =	slt.u32 s8, $0xFFFFF086  }
0x1c: {  	p1 =	slt.u32 s9, $0xF7A;
	s5 =	simm.s32 @!p2 $0x0  }
0x1d: {  	s5 =	simm.s32 @p1 $0x1;
	p0 =	seq.s32 s7, s2  }
0x1e: {  	s7 =	smul.u32 @!p0 $0xF7A, s2;
	p2 =	seq.s32 @!p0 s5, $0x0  }
0x1f: {  	s9 =	smul.u32 $0xF7A, s1;
	s8 =	simm.s32 @!p0 $0x1BF5;
	p2 =	por !p2, p0  }
0x20: {  	[sflag:s8] =	ssyncset.s32 @!p0 $0xFFFFF086;
	s6 =	sadd.s32 @!p0 s3, s7;
	s7 =	simm.s32 @!p0 $0x108  }
0x21: {  	s3 =	sadd.s32 s3, s9;
	s6 =	sadd.s32 @!p0 $0x88, s6;
	s7 =	simm.s32 @p2 $0x1082  }
0x22: {  	[simem:s7], [sflag:s8] =	dma.local @!p0 [hbm:s6], $0xF7A  }
0x23: {  	s9 =	sor.u32 $0xD0000000, s2;
	s6 =	simm.s32 $0x108;
	_ =	swait.ge @!p0 [sflag:s8], $0x0  }
0x24: {  	s3 =	sadd.s32 $0x88, s3;
	s6 =	simm.s32 @!p1 $0x1082;
	[sflag:s4] =	ssyncset.s32 $0xFFFFF086  }
0x25: {  	[simem:s6], [sflag:s4] =	dma.local [hbm:s3], $0xF7A  }
0x26: {  	[smem:$0x3F9B] =	sst s1;
	(tag) =	ssettag s2;
	_ =	strace s9  }
0x27: {  	s1 =	sld [smem:$0x3FAB]  }
0x28: {  	s2 =	sld [smem:$0x3FAC]  }
0x29: {  	s4 =	sld [smem:$0x3FAE]  }
0x2a: {  	p0 =	seq.s32 s5, $0x0;
	s5 =	sld [smem:$0x3FAF]  }
0x2b: {  	s6 =	sld [smem:$0x3FB0]  }
0x2c: {  	s7 =	sld [smem:$0x3FB1]  }
0x2d: {  	s3 =	simm.s32 $0x108;
	s8 =	sld [smem:$0x3FB2]  }
0x2e: {  	s3 =	simm.s32 @!p0 $0x1082;
	s9 =	sld [smem:$0x3FB3]  }
0x2f: {  	lr =	sadd.s32 s0, s3;
	s0 =	sld [smem:$0x3FAA]  }
0x30: {  	s3 =	sld [smem:$0x3FAD]  }
0x31: {  	[smem:$0x3FB6] =	sst s10  }
0x32: {  	s10 =	sld [smem:$0x3FB4];
	_ =	sdelay $0x3  }
0x33: {  	p0 =	seq.s32 s10, $0x1;
	s10 =	sld [smem:$0x3FB6];
	_ =	sdelay $0x3  }
0x34: {  	[smem:$0x3FB6] =	sst s10  }
0x35: {  	s10 =	sld [smem:$0x3FB5];
	_ =	sdelay $0x3  }
0x36: {  	p1 =	seq.s32 s10, $0x1;
	s10 =	sld [smem:$0x3FB6];
	_ =	sdelay $0x3  }
0x37: {  	[smem:$0x3FB6] =	sst s10  }
0x38: {  	s10 =	sld [smem:$0x3FB7]  }
0x39: {  	_ = 	snop;
	(pc) =	sbr.ind lr, $3  }
0x3a: {  	_ = 	snop  }
0x3b: {  	_ = 	snop  }
0x3c: {  	p2 =	seq.s32 s10, $0x1;
	s10 =	sld [smem:$0x3FB6]  }
0x3d: {  	_ =	shalt  }
0x3e: {  	_ =	shalt  }
0x3f: {  	_ =	shalt  }
0x40: {  	_ =	shalt  }
0x41: {  	_ =	shalt  }
0x42: {  	_ =	shalt  }
0x43: {  	_ =	shalt  }
0x44: {  	_ =	shalt  }
0x45: {  	_ =	shalt  }
0x46: {  	_ =	shalt  }
0x47: {  	_ =	shalt  }
0x48: {  	_ =	shalt  }
0x49: {  	_ =	shalt  }
0x4a: {  	_ =	shalt  }
0x4b: {  	_ =	shalt  }
0x4c: {  	_ =	shalt  }
0x4d: {  	_ =	shalt  }
0x4e: {  	_ =	shalt  }
0x4f: {  	_ =	shalt  }
0x50: {  	_ =	shalt  }
0x51: {  	_ =	shalt  }
0x52: {  	_ =	shalt  }
0x53: {  	_ =	shalt  }
0x54: {  	_ =	shalt  }
0x55: {  	_ =	shalt  }
0x56: {  	_ =	shalt  }
0x57: {  	_ =	shalt  }
0x58: {  	_ =	shalt  }
0x59: {  	_ =	shalt  }
0x5a: {  	_ =	shalt  }
0x5b: {  	_ =	shalt  }
0x5c: {  	_ =	shalt  }
0x5d: {  	_ =	shalt  }
0x5e: {  	_ =	shalt  }
0x5f: {  	_ =	shalt  }
0x60: {  	_ =	shalt  }
0x61: {  	_ =	shalt  }
0x62: {  	_ =	shalt  }
0x63: {  	_ =	shalt  }
0x64: {  	_ =	shalt  }
0x65: {  	_ =	shalt  }
0x66: {  	_ =	shalt  }
0x67: {  	_ =	shalt  }
0x68: {  	_ =	shalt  }
0x69: {  	_ =	shalt  }
0x6a: {  	_ =	shalt  }
0x6b: {  	_ =	shalt  }
0x6c: {  	_ =	shalt  }
0x6d: {  	_ =	shalt  }
0x6e: {  	_ =	shalt  }
0x6f: {  	_ =	shalt  }
0x70: {  	_ =	shalt  }
0x71: {  	_ =	shalt  }
0x72: {  	_ =	shalt  }
0x73: {  	_ =	shalt  }
0x74: {  	_ =	shalt  }
0x75: {  	_ =	shalt  }
0x76: {  	_ =	shalt  }
0x77: {  	_ =	shalt  }
0x78: {  	_ =	shalt  }
0x79: {  	_ =	shalt  }
0x7a: {  	_ =	shalt  }
0x7b: {  	_ =	shalt  }
0x7c: {  	_ =	shalt  }
0x7d: {  	_ =	shalt  }
0x7e: {  	_ =	shalt  }
0x7f: {  	_ =	shalt  }
0x80: {  	_ =	shalt  }
0x81: {  	_ =	shalt  }
0x82: {  	_ =	shalt  }
0x83: {  	_ =	shalt  }
0x84: {  	_ =	shalt  }
0x85: {  	_ =	shalt  }
0x86: {  	_ =	shalt  }
0x87: {  	_ =	shalt  }
.Lfunc_end0:
.L_simem_size_0:
called_computation.1_lowered:
.L_overlay_start_0:
0x88: {  	s2 =	sld [smem:$0x3FD9]  }
0x89: {  	s3 =	sld [smem:$0x3FFE];
	_ =	sdelay $0x1  }
0x8a: {  	s1 =	srdreg.scid  }
0x8b: {  	s0 =	sand.u32 $0x1, s1  }
0x8c: {  	s14 =	sshll.u32 s0, $0xA;
	s2 =	sadd.s32 s3, s2  }
0x8d: {  	s2 =	sadd.s32 s2, s14  }
0x8e: {  	[smem:$0x3FC2] =	sst s2  }
0x8f: {  	_ = 	snop  }
0x90: {  	s2 =	sld [smem:$0x3FD0];
	_ =	sdelay $0x2  }
0x91: {  	s15 =	simm.s32 $0xA;
	s4 =	simm.s32 $0x10  }
0x92: {  	[smem:s4], [sflag:s15] =	dma.local [hbm:s2], $0x1  }
0x93: {  	_ =	swait.eq [sflag:s15], $0x1  }
0x94: {  	[sflag:s15] =	ssyncset.done $0x0  }
0x95: {  	[sflag:s15] =	ssyncadd.s32 $0xFFFFFFFF  }
0x96: {  	s16 =	sld [smem:$0x10];
	(tm) =	ssettm $0x1  }
0x97: {  	s17 =	sld [smem:$0x3FFB];
	_ =	sdelay $0x3  }
0x98: {  	_ =	strace s17  }
0x99: {  	s3 =	sld [smem:$0x3FFC];
	_ =	sdelay $0x3  }
0x9a: {  	_ =	strace s3  }
0x9b: {  	s3 =	sld [smem:$0x3FFD];
	_ =	sdelay $0x3  }
0x9c: {  	_ =	strace s3  }
0x9d: {  	_ =	strace $0x8FFFFFFF  }
0x9e: {  	s18 =	sld [smem:$0x3FDB];
	_ =	sdelay $0x1  }
0x9f: {  	s19 =	simm.s32 $_scs_section_size  }
0xa0: {  	s5 =	simm.s32 $_size__tile_overlayer_lowered;
	s6 =	simm.s32 $_tile_overlayer_lowered  }
0xa1: {  	s22 =	simm.s32 $0x1BFF;
	s21 =	sshll.u32 s6, $0x1;
	s3 =	sadd.s32 s19, s18  }
0xa2: {  	s7 =	simm.s32 $0x0;
	s20 =	sshll.u32 s5, $0x1;
	s5 =	sadd.s32 s21, s3  }
0xa3: {  	[timem:s7], [sflag:s22] =	dma.local [hbm:s5], s20  }
0xa4: {  	_ =	swait.ge [sflag:s22], s20  }
0xa5: {  	s4 =	ssub.s32 $0x0, s20;
	[sflag:s22] =	ssyncset.done $0x0  }
0xa6: {  	[sflag:s22] =	ssyncadd.s32 s4;
	_ =	sdelay $0x1  }
0xa7: {  	s23 =	simm.s32 $0x1B8B  }
0xa8: {  	_ =	swait.ge [sflag:s23], $0x1  }
0xa9: {  	[sflag:s23] =	ssyncset.done $0x0  }
0xaa: {  	s25 =	simm.s32 $0x1B8E;
	s24 =	sld [smem:$0x3FFE];
	[sflag:s23] =	ssyncadd.s32 $0xFFFFFFFF  }
0xab: {  	s26 =	simm.s32 $execute0_lowered;
	[smem:$0x3FD2] =	sst s25  }
0xac: {  	s5 =	sshll.u32 s26, $0x1;
	_ =	strace $0x80000049;
	[dreg:$0x1] =	wrdreg $0xFFFFFFFF  }
0xad: {  	s28 =	simm.s32 $_size_execute0_lowered;
	s3 =	sadd.s32 s3, s5;
	[dreg:$0x0] =	wrdreg $0x0  }
0xae: {  	s5 =	sshll.u32 s28, $0x1;
	[dreg:$0x2] =	wrdreg s3  }
0xaf: {  	[dreg:$0x3] =	wrdreg s5  }
0xb0: {  	[dreg:$0x4] =	wrdreg $0xC0  }
0xb1: {  	_ =	task [dreg:s7], $0x5FFFF  }
0xb2: {  	[dreg:$0x1] =	wrdreg $0xFFFFFFFF  }
0xb3: {  	[dreg:$0x0] =	wrdreg $0x60  }
0xb4: {  	[dreg:$0x2] =	wrdreg s24  }
0xb5: {  	[dreg:$0x3] =	wrdreg s16  }
0xb6: {  	[dreg:$0x4] =	wrdreg $0x9  }
0xb7: {  	_ =	task.clear_ibuf [dreg:s7], $0x5FFFF;
	_ =	strace $0x90000049  }
0xb8: {  	s29 =	simm.s32 $0x9;
	_ =	strace $0x8000004B  }
0xb9: {  	_ =	swait.ge [sflag:s29], $0x1  }
0xba: {  	[sflag:s29] =	ssyncadd.s32 $0xFFFFFFFF  }
0xbb: {  	_ =	strace $0x9000004B  }
0xbc: {  	_ =	sfence  }
0xbd: {  	s30 =	sld [smem:$0x0];
	_ =	sdelay $0x2  }
0xbe: {  	s31 =	sshll.u32 s1, $0xD;
	s1 =	sshrl.u32 s1, $0x2  }
0xbf: {  	s3 =	sand.u32 $0x4000, s31;
	s1 =	sadd.s32 s1, s30  }
0xc0: {  	s0 =	sor.u32 s3, s0;
	s1 =	sshll.u32 s1, $0x11  }
0xc1: {  	s0 =	sor.u32 s1, s0  }
0xc2: {  	s0 =	sadd.s32 $0x8F2B, s0  }
0xc3: {  	[sflag:s0] =	ssyncadd.remote.s32 $0x1  }
0xc4: {  	_ =	sfence.sel $0xFFFF  }
0xc5: {  	[dreg:$0x0] =	wrdreg $0xFFFFFFFF;
	(pc) =	sbr.abs _section_cstart, $3  }
0xc6: {  	[dreg:$0x1] =	wrdreg $0xFFFFFFFF  }
0xc7: {  	_ =	task.clear_ibuf [dreg:s7], $0x2FFFF;
	_ =	strace $0x9FFFFFFF  }
0xc8: {  	(tm) =	ssettm $0x7FFFFFFF  }
0xc9: {  	_ =	shalt  }
tec
execute0_lowered:
.L_overlay_start_1:
0x0: {  	(tag) =	ssettag $0x1  }
0x1: {  	s0 =	rddreg [dreg:$0x0]  }
0x2: {  	s1 =	rddreg [dreg:$0x1];
	s3 =	srdreg.scid;
	s2 =	simm.s32 $0x0  }
0x3: {  	s7 =	stileid.u32;
	s22 =	simm.s32 $0x800;
	[smem:$0x7FF] =	sst s2  }
0x4: {  	s23 =	simm.s32 $0x1000;
	_ =	strace $0x8000004A;
	[dreg:$0x5] =	wrdreg s22  }
0x5: {  	s24 =	simm.s32 $0x1800;
	s25 =	simm.s32 $0x2000;
	[dreg:$0x6] =	wrdreg s23  }
0x6: {  	s26 =	simm.s32 $0x2800;
	s9 =	simm.s32 $0x3000;
	[dreg:$0x7] =	wrdreg s24  }
0x7: {  	s10 =	simm.s32 $0x3800;
	s11 =	simm.s32 $0x4800;
	[dreg:$0x8] =	wrdreg s25  }
0x8: {  	s12 =	simm.s32 $0x5000;
	s14 =	simm.s32 $0x5800;
	[dreg:$0x9] =	wrdreg s26  }
0x9: {  	s15 =	simm.s32 $0x6000;
	s16 =	simm.s32 $0x6800;
	[dreg:$0xa] =	wrdreg s9  }
0xa: {  	s17 =	simm.s32 $0x7000;
	s18 =	simm.s32 $0x7800;
	[dreg:$0xb] =	wrdreg s10  }
0xb: {  	s19 =	simm.s32 $0x8800;
	s28 =	simm.s32 $0x2;
	[dreg:$0xc] =	wrdreg s11  }
0xc: {  	s29 =	simm.s32 $0x3;
	s30 =	simm.s32 $0x4;
	[dreg:$0xd] =	wrdreg s12  }
0xd: {  	s31 =	simm.s32 $0x0;
	s4 =	sand.u32 $0x1, s3;
	[dreg:$0xe] =	wrdreg s14  }
0xe: {  	s20 =	sshll.u32 s7, $0x10;
	s7 =	sshll.u32 s7, $0x9;
	[dreg:$0xf] =	wrdreg s15  }
0xf: {  	s3 =	sadd.s32 s20, s0;
	s5 =	sshll.u32 s4, $0xF;
	[dreg:$0x10] =	wrdreg s16  }
0x10: {  	s21 =	sshll.u32 s4, $0x8;
	s4 =	ssub.s32 $0x2, s4;
	[dreg:$0x11] =	wrdreg s17  }
0x11: {  	s9 =	sadd.s32 $0x11600, s0;
	s10 =	sadd.s32 $0x11700, s0;
	[dreg:$0x12] =	wrdreg s18  }
0x12: {  	s11 =	sadd.s32 $0x11800, s0;
	s12 =	sadd.s32 $0x11900, s0;
	[dreg:$0x13] =	wrdreg s19  }
0x13: {  	s20 =	simm.s32 $0x9000;
	s15 =	simm.s32 $0x5;
	s22 =	simm.s32 $0xA000  }
0x14: {  	s23 =	simm.s32 $0xA800;
	s17 =	simm.s32 $0x4000;
	[dreg:$0x14] =	wrdreg s20  }
0x15: {  	s24 =	simm.s32 $0xB000;
	s18 =	simm.s32 $0x8000;
	[dreg:$0x16] =	wrdreg s22  }
0x16: {  	s25 =	simm.s32 $0xB800;
	s19 =	simm.s32 $0xC000;
	[dreg:$0x17] =	wrdreg s23  }
0x17: {  	s26 =	simm.s32 $0xC800;
	s5 =	sadd.s32 s5, s3;
	[dreg:$0x18] =	wrdreg s24  }
0x18: {  	s3 =	sadd.s32 $0x11200, s0;
	s8 =	sshrl.u32 s4, $0x1;
	[dreg:$0x19] =	wrdreg s25  }
0x19: {  	[dreg:$0x1a] =	wrdreg s26;
	s20 =	simm.s32 $0xD000;
	s22 =	simm.s32 $0xE000  }
0x1a: {  	s23 =	simm.s32 $0xE800;
	s24 =	simm.s32 $0xF000;
	s25 =	simm.s32 $0xF800  }
0x1b: {  	s26 =	simm.s32 $0x1;
	s6 =	sadd.s32 $0x395200, s5;
	s5 =	sadd.s32 $0x295200, s5  }
0x1c: {  	s13 =	ssub.s32 s4, s8;
	s8 =	sadd.s32 $0x11500, s0;
	[dreg:$0x3] =	wrdreg s6  }
0x1d: {  	[dreg:$0x4] =	wrdreg s5;
	s6 =	sor.u32 s21, s7;
	s13 =	smax.u32 s13, $0x1  }
0x1e: {  	v0 =	vlaneseq.u32;
	s21 =	simm.s32 $0x9800;
	s7 =	sadd.s32 s6, s0;
	s1 =	sadd.s32 s1, s6  }
0x1f: {  	v1 =	vshrl.u32 v0, $0x3;
	s6 =	sadd.s32 $0x11300, s0;
	[dreg:$0x15] =	wrdreg s21;
	s21 =	simm.s32 $0xD800  }
0x20: {  	vm0 =	vmmov $0xffff;
	v0 =	vand.u32 $0x7, v0;
	v1 =	vmul.u32 $0x8, v1;
	[dreg:$0x1b] =	wrdreg s1;
	s5 =	sadd.s32 $0x293200, s7;
	s7 =	sadd.s32 $0x11400, s0  }
.LBB2_1:
0x21: {  	s0 =	rddreg [dreg:$0x1b];
	s1 =	simm.s32 $0x10000  }
0x22: {  	[tilespmem:s1], [sflag:$0x5] =	stream.linear.gather [hbm4b:s0+s2], $0x800, $0x38;
	[tilespmem:$0x11000] =	vst v63  }
0x23: {  	_ =	swait.ge [sflag:s15], $0x800  }
0x24: {  	[sflag:s15] =	ssyncset.done $0x0  }
0x25: {  	s16 =	simm.s32 $0x10800;
	[sflag:s15] =	ssyncadd.s32 $0xFFFFF800  }
0x26: {  	[tilespmem:s16], [sflag:$0x5] =	stream.linear.gather [hbm4b:s5+s2], $0x800, $0x38;
	[tilespmem:$0x11000] =	vst v63  }
0x27: {  	_ =	swait.ge [sflag:s15], $0x800  }
0x28: {  	s14 =	simm.s32 $0x0;
	[sflag:s15] =	ssyncset.done $0x0  }
0x29: {  	s0 =	simm.s32 $0x10880;
	s1 =	simm.s32 $0x10080;
	[sflag:s15] =	ssyncadd.s32 $0xFFFFF800  }
.LBB2_2:
0x2a: {  	v2 =	vld.msk [tilespmem:s1+$0xFFFFFF80], $0xff;
	_ =	sdelay $0x4  }
0x2b: {  	v3 =	vshll.u32 v2, $0x4  }
0x2c: {  	v2 =	vand.u32 $0x7, v2;
	v3 =	vand.u32 $0xFFFFFF80, v3  }
0x2d: {  	v2 =	vor.u32 v2, v3  }
0x2e: {  	v2 =	vperm.xlane v2, v0;
	_ =	sdelay $0x1  }
0x2f: {  	v2 =	vadd.s32 v1, v2;
	_ =	sdelay $0x4  }
0x30: {  	[tilespmem:s2], [sflag:$0x1] =	stream.indirect_vreg.gather [hbm4b:s3+s2], $0x80, v2, vm0, $0xb8;
	[tilespmem:$0x11000] =	vst v63  }
0x31: {  	s16 =	rddreg [dreg:$0x5]  }
0x32: {  	[tilespmem:s16], [sflag:$0x1] =	stream.indirect_vreg.gather [hbm4b:s6+s2], $0x80, v2, vm0, $0xb8;
	[tilespmem:$0x11000] =	vst v63  }
0x33: {  	s4 =	rddreg [dreg:$0x6]  }
0x34: {  	[tilespmem:s4], [sflag:$0x1] =	stream.indirect_vreg.gather [hbm4b:s7+s2], $0x80, v2, vm0, $0xb8;
	[tilespmem:$0x11000] =	vst v63  }
0x35: {  	s16 =	rddreg [dreg:$0x7]  }
0x36: {  	[tilespmem:s16], [sflag:$0x1] =	stream.indirect_vreg.gather [hbm4b:s8+s2], $0x80, v2, vm0, $0xb8;
	[tilespmem:$0x11000] =	vst v63  }
0x37: {  	s4 =	rddreg [dreg:$0x8]  }
0x38: {  	[tilespmem:s4], [sflag:$0x1] =	stream.indirect_vreg.gather [hbm4b:s9+s2], $0x80, v2, vm0, $0xb8;
	[tilespmem:$0x11000] =	vst v63  }
0x39: {  	s16 =	rddreg [dreg:$0x9]  }
0x3a: {  	[tilespmem:s16], [sflag:$0x1] =	stream.indirect_vreg.gather [hbm4b:s10+s2], $0x80, v2, vm0, $0xb8;
	[tilespmem:$0x11000] =	vst v63  }
0x3b: {  	s4 =	rddreg [dreg:$0xa]  }
0x3c: {  	[tilespmem:s4], [sflag:$0x1] =	stream.indirect_vreg.gather [hbm4b:s11+s2], $0x80, v2, vm0, $0xb8;
	[tilespmem:$0x11000] =	vst v63  }
0x3d: {  	s16 =	rddreg [dreg:$0xb]  }
0x3e: {  	[tilespmem:s16], [sflag:$0x1] =	stream.indirect_vreg.gather [hbm4b:s12+s2], $0x80, v2, vm0, $0xb8;
	[tilespmem:$0x11000] =	vst v63  }
0x3f: {  	v2 =	vld.msk [tilespmem:s0+$0xFFFFFF80], $0xff;
	_ =	sdelay $0x4  }
0x40: {  	v3 =	vshll.u32 v2, $0x4  }
0x41: {  	v2 =	vand.u32 $0x7, v2;
	v3 =	vand.u32 $0xFFFFFF80, v3  }
0x42: {  	v2 =	vor.u32 v2, v3  }
0x43: {  	v2 =	vperm.xlane v2, v0;
	_ =	sdelay $0x1  }
0x44: {  	v2 =	vadd.s32 v1, v2;
	_ =	sdelay $0x4  }
0x45: {  	[tilespmem:s17], [sflag:$0x1] =	stream.indirect_vreg.gather [hbm4b:s3+s2], $0x80, v2, vm0, $0xb8;
	[tilespmem:$0x11000] =	vst v63  }
0x46: {  	s4 =	rddreg [dreg:$0xc]  }
0x47: {  	[tilespmem:s4], [sflag:$0x1] =	stream.indirect_vreg.gather [hbm4b:s6+s2], $0x80, v2, vm0, $0xb8;
	[tilespmem:$0x11000] =	vst v63  }
0x48: {  	s16 =	rddreg [dreg:$0xd]  }
0x49: {  	[tilespmem:s16], [sflag:$0x1] =	stream.indirect_vreg.gather [hbm4b:s7+s2], $0x80, v2, vm0, $0xb8;
	[tilespmem:$0x11000] =	vst v63  }
0x4a: {  	s4 =	rddreg [dreg:$0xe]  }
0x4b: {  	[tilespmem:s4], [sflag:$0x1] =	stream.indirect_vreg.gather [hbm4b:s8+s2], $0x80, v2, vm0, $0xb8;
	[tilespmem:$0x11000] =	vst v63  }
0x4c: {  	s16 =	rddreg [dreg:$0xf]  }
0x4d: {  	[tilespmem:s16], [sflag:$0x1] =	stream.indirect_vreg.gather [hbm4b:s9+s2], $0x80, v2, vm0, $0xb8;
	[tilespmem:$0x11000] =	vst v63  }
0x4e: {  	s4 =	rddreg [dreg:$0x10]  }
0x4f: {  	[tilespmem:s4], [sflag:$0x1] =	stream.indirect_vreg.gather [hbm4b:s10+s2], $0x80, v2, vm0, $0xb8;
	[tilespmem:$0x11000] =	vst v63  }
0x50: {  	s16 =	rddreg [dreg:$0x11]  }
0x51: {  	[tilespmem:s16], [sflag:$0x1] =	stream.indirect_vreg.gather [hbm4b:s11+s2], $0x80, v2, vm0, $0xb8;
	[tilespmem:$0x11000] =	vst v63  }
0x52: {  	s4 =	rddreg [dreg:$0x12]  }
0x53: {  	[tilespmem:s4], [sflag:$0x1] =	stream.indirect_vreg.gather [hbm4b:s12+s2], $0x80, v2, vm0, $0xb8;
	[tilespmem:$0x11000] =	vst v63  }
0x54: {  	v2 =	vld.msk [tilespmem:s1+$0x0], $0xff;
	_ =	sdelay $0x4  }
0x55: {  	v3 =	vshll.u32 v2, $0x4  }
0x56: {  	v2 =	vand.u32 $0x7, v2;
	v3 =	vand.u32 $0xFFFFFF80, v3  }
0x57: {  	v2 =	vor.u32 v2, v3  }
0x58: {  	v2 =	vperm.xlane v2, v0;
	_ =	sdelay $0x1  }
0x59: {  	v2 =	vadd.s32 v1, v2;
	_ =	sdelay $0x4  }
0x5a: {  	[tilespmem:s18], [sflag:$0x2] =	stream.indirect_vreg.gather [hbm4b:s3+s2], $0x80, v2, vm0, $0xb8;
	[tilespmem:$0x11000] =	vst v63  }
0x5b: {  	s4 =	rddreg [dreg:$0x13]  }
0x5c: {  	[tilespmem:s4], [sflag:$0x2] =	stream.indirect_vreg.gather [hbm4b:s6+s2], $0x80, v2, vm0, $0xb8;
	[tilespmem:$0x11000] =	vst v63  }
0x5d: {  	s16 =	rddreg [dreg:$0x14]  }
0x5e: {  	[tilespmem:s16], [sflag:$0x2] =	stream.indirect_vreg.gather [hbm4b:s7+s2], $0x80, v2, vm0, $0xb8;
	[tilespmem:$0x11000] =	vst v63  }
0x5f: {  	s4 =	rddreg [dreg:$0x15]  }
0x60: {  	[tilespmem:s4], [sflag:$0x2] =	stream.indirect_vreg.gather [hbm4b:s8+s2], $0x80, v2, vm0, $0xb8;
	[tilespmem:$0x11000] =	vst v63  }
0x61: {  	s16 =	rddreg [dreg:$0x16]  }
0x62: {  	[tilespmem:s16], [sflag:$0x2] =	stream.indirect_vreg.gather [hbm4b:s9+s2], $0x80, v2, vm0, $0xb8;
	[tilespmem:$0x11000] =	vst v63  }
0x63: {  	s4 =	rddreg [dreg:$0x17]  }
0x64: {  	[tilespmem:s4], [sflag:$0x2] =	stream.indirect_vreg.gather [hbm4b:s10+s2], $0x80, v2, vm0, $0xb8;
	[tilespmem:$0x11000] =	vst v63  }
0x65: {  	s16 =	rddreg [dreg:$0x18]  }
0x66: {  	[tilespmem:s16], [sflag:$0x2] =	stream.indirect_vreg.gather [hbm4b:s11+s2], $0x80, v2, vm0, $0xb8;
	[tilespmem:$0x11000] =	vst v63  }
0x67: {  	s4 =	rddreg [dreg:$0x19]  }
0x68: {  	[tilespmem:s4], [sflag:$0x2] =	stream.indirect_vreg.gather [hbm4b:s12+s2], $0x80, v2, vm0, $0xb8;
	[tilespmem:$0x11000] =	vst v63  }
0x69: {  	v2 =	vld.msk [tilespmem:s0+$0x0], $0xff;
	_ =	sdelay $0x4  }
0x6a: {  	v3 =	vshll.u32 v2, $0x4  }
0x6b: {  	v2 =	vand.u32 $0x7, v2;
	v3 =	vand.u32 $0xFFFFFF80, v3  }
0x6c: {  	v2 =	vor.u32 v2, v3  }
0x6d: {  	v2 =	vperm.xlane v2, v0;
	_ =	sdelay $0x1  }
0x6e: {  	v2 =	vadd.s32 v1, v2;
	_ =	sdelay $0x4  }
0x6f: {  	[tilespmem:s19], [sflag:$0x2] =	stream.indirect_vreg.gather [hbm4b:s3+s2], $0x80, v2, vm0, $0xb8;
	[tilespmem:$0x11000] =	vst v63  }
0x70: {  	s16 =	rddreg [dreg:$0x1a]  }
0x71: {  	[tilespmem:s16], [sflag:$0x2] =	stream.indirect_vreg.gather [hbm4b:s6+s2], $0x80, v2, vm0, $0xb8;
	[tilespmem:$0x11000] =	vst v63  }
0x72: {  	_ = 	snop  }
0x73: {  	[tilespmem:s20], [sflag:$0x2] =	stream.indirect_vreg.gather [hbm4b:s7+s2], $0x80, v2, vm0, $0xb8;
	[tilespmem:$0x11000] =	vst v63  }
0x74: {  	_ = 	snop  }
0x75: {  	[tilespmem:s21], [sflag:$0x2] =	stream.indirect_vreg.gather [hbm4b:s8+s2], $0x80, v2, vm0, $0xb8;
	[tilespmem:$0x11000] =	vst v63  }
0x76: {  	_ = 	snop  }
0x77: {  	[tilespmem:s22], [sflag:$0x2] =	stream.indirect_vreg.gather [hbm4b:s9+s2], $0x80, v2, vm0, $0xb8;
	[tilespmem:$0x11000] =	vst v63  }
0x78: {  	_ = 	snop  }
0x79: {  	[tilespmem:s23], [sflag:$0x2] =	stream.indirect_vreg.gather [hbm4b:s10+s2], $0x80, v2, vm0, $0xb8;
	[tilespmem:$0x11000] =	vst v63  }
0x7a: {  	_ = 	snop  }
0x7b: {  	[tilespmem:s24], [sflag:$0x2] =	stream.indirect_vreg.gather [hbm4b:s11+s2], $0x80, v2, vm0, $0xb8;
	[tilespmem:$0x11000] =	vst v63  }
0x7c: {  	_ = 	snop  }
0x7d: {  	[tilespmem:s25], [sflag:$0x2] =	stream.indirect_vreg.gather [hbm4b:s12+s2], $0x80, v2, vm0, $0xb8;
	[tilespmem:$0x11000] =	vst v63  }
0x7e: {  	_ =	swait.ge [sflag:s26], $0x4000  }
0x7f: {  	[sflag:s26] =	ssyncset.done $0x0  }
0x80: {  	[sflag:s26] =	ssyncadd.s32 $0xFFFFC000  }
0x81: {  	_ =	swait.ge [sflag:s26], $0x4000  }
0x82: {  	s4 =	rddreg [dreg:$0x4];
	[sflag:s26] =	ssyncset.done $0x0  }
0x83: {  	s16 =	rddreg [dreg:$0x3];
	[sflag:s26] =	ssyncadd.s32 $0xFFFFC000;
	s4 =	sadd.s32 s14, s4  }
0x84: {  	[hbm4b:s4+s2] =	stream.linear.scatter [tilespmem:s2], [sflag:$0x3], $0x4000, $0x38;
	[tilespmem:$0x11000] =	vst v63  }
0x85: {  	s16 =	sadd.s32 s14, s16  }
0x86: {  	[hbm4b:s16+s2] =	stream.linear.scatter [tilespmem:s17], [sflag:$0x3], $0x4000, $0x38;
	[tilespmem:$0x11000] =	vst v63  }
0x87: {  	_ =	swait.ge [sflag:s28], $0x4000  }
0x88: {  	[sflag:s28] =	ssyncset.done $0x0  }
0x89: {  	[sflag:s28] =	ssyncadd.s32 $0xFFFFC000  }
0x8a: {  	_ =	swait.ge [sflag:s28], $0x4000  }
0x8b: {  	[sflag:s28] =	ssyncset.done $0x0  }
0x8c: {  	s4 =	sadd.s32 $0x800, s4;
	[sflag:s28] =	ssyncadd.s32 $0xFFFFC000  }
0x8d: {  	[hbm4b:s4+s2] =	stream.linear.scatter [tilespmem:s18], [sflag:$0x4], $0x4000, $0x38;
	[tilespmem:$0x11000] =	vst v63  }
0x8e: {  	s16 =	sadd.s32 $0x800, s16  }
0x8f: {  	[hbm4b:s16+s2] =	stream.linear.scatter [tilespmem:s19], [sflag:$0x4], $0x4000, $0x38;
	[tilespmem:$0x11000] =	vst v63  }
0x90: {  	_ =	swait.ge [sflag:s29], $0x4000  }
0x91: {  	[sflag:s29] =	ssyncset.done $0x0  }
0x92: {  	[sflag:s29] =	ssyncadd.s32 $0xFFFFC000  }
0x93: {  	_ =	swait.ge [sflag:s29], $0x4000  }
0x94: {  	[sflag:s29] =	ssyncset.done $0x0  }
0x95: {  	[sflag:s29] =	ssyncadd.s32 $0xFFFFC000  }
0x96: {  	p0 =	sne.s32 s14, $0x7000;
	_ =	swait.ge [sflag:s30], $0x4000  }
.Ltmp0:
0x97: {  	[sflag:s30] =	ssyncset.done $0x0;
	(pc) =	sbr.rel @p0 .LBB2_2-.Ltmp0, $4  }
0x98: {  	[sflag:s30] =	ssyncadd.s32 $0xFFFFC000  }
0x99: {  	_ =	swait.ge [sflag:s30], $0x4000  }
0x9a: {  	s1 =	sadd.s32 $0x100, s1;
	[sflag:s30] =	ssyncset.done $0x0  }
0x9b: {  	s0 =	sadd.s32 $0x100, s0;
	s14 =	sadd.s32 $0x1000, s14;
	[sflag:s30] =	ssyncadd.s32 $0xFFFFC000  }
0x9c: {  	s31 =	sadd.s32 $0x1, s31  }
0x9d: {  	p0 =	sne.s32 s31, s13  }
.Ltmp1:
0x9e: {  	_ = 	snop;
	(pc) =	sbr.rel @p0 .LBB2_1-.Ltmp1, $1  }
0x9f: {  	_ =	sdelay $0x3  }
0xa0: {  	_ =	sfence.sel $0x180000  }
0xa1: {  	[bflag:$0x0] =	sbarrier.arrive $0xFFFF  }
0xa2: {  	_ =	strace $0x9000004A  }
0xa3: {  	s0 =	stileid.u32;
	[bflag:$0x2] =	sbarrier.arrive $0xFFFF  }
0xa4: {  	p0 =	sne.s32 s0, $0x0;
	s0 =	rddreg [dreg:$0x2]  }
0xa5: {  	s0 =	sadd.s32 @!p0 $0x100000, s0  }
0xa6: {  	[sflag:s0] =	ssyncadd.tile.s32 @!p0 $0x1;
	_ =	shalt  }
.Lfunc_end2:
_tile_overlayer_lowered:
.L_overlay_start_2:
0xa7: {  	(tag) =	ssettag $0x2  }
0xa8: {  	s0 =	rddreg [dreg:$0x0];
	s2 =	stileid.u32  }
0xa9: {  	s1 =	rddreg [dreg:$0x1];
	p0 =	sne.s32 s2, $0x0  }
0xaa: {  	s3 =	rddreg [dreg:$0x2];
	[bflag:$0x3] =	sbarrier.arrive $0xFFFF;
	s2 =	simm.s32 @!p0 $0x1C05  }
0xab: {  	[timem:s3], [sflag:s2] =	dma.local @!p0 [hbm:s0], s1  }
0xac: {  	s0 =	simm.s32 @!p0 $0x5  }
0xad: {  	_ =	swait.ge @!p0 [sflag:s0], s1  }
0xae: {  	s1 =	ssub.s32 @!p0 $0x0, s1;
	[sflag:s0] =	ssyncset.done @!p0 $0x0  }
0xaf: {  	[sflag:s0] =	ssyncadd.s32 @!p0 s1  }
0xb0: {  	[bflag:$0x3] =	sbarrier.arrive $0xFFFF  }
0xb1: {  	_ =	shalt  }

// kernel: kernel.8.cloned.1.call-start
scs
__scs_entry_jumppad:
0x0: {  	(pc) =	sbr.rel $0x88, $3  }
0x1: {  	(tag) =	ssettag $0x0;
	lr =	simm.s32 $0x1  }
0x2: {  	[smem:$0x3F9B] =	sst lr;
	_ =	strace $0xD0000000  }
0x3: {  	_ = 	snop  }
0x4: {  	_ = 	snop  }
0x5: {  	_ = 	snop  }
0x6: {  	_ = 	snop  }
0x7: {  	_ = 	snop  }
__scs_overlays_trampoline_lowered:
0x8: {  	[smem:$0x3FAA] =	sst s0  }
0x9: {  	[smem:$0x3FAB] =	sst s1  }
0xa: {  	[smem:$0x3FAC] =	sst s2  }
0xb: {  	[smem:$0x3FAD] =	sst s3  }
0xc: {  	[smem:$0x3FAE] =	sst s4  }
0xd: {  	[smem:$0x3FAF] =	sst s5  }
0xe: {  	[smem:$0x3FB0] =	sst s6  }
0xf: {  	[smem:$0x3FB1] =	sst s7  }
0x10: {  	[smem:$0x3FB2] =	sst s8  }
0x11: {  	[smem:$0x3FB3] =	sst s9;
	s0 =	simm.s32 @!p0 $0x0  }
0x12: {  	s1 =	sld [smem:$0x3F99];
	s0 =	simm.s32 @p0 $0x1  }
0x13: {  	[smem:$0x3FB4] =	sst s0;
	s0 =	simm.s32 @!p1 $0x0  }
0x14: {  	s2 =	sld [smem:$0x3F98];
	s0 =	simm.s32 @p1 $0x1  }
0x15: {  	[smem:$0x3FB5] =	sst s0;
	s0 =	simm.s32 @!p2 $0x0  }
0x16: {  	s3 =	sld [smem:$0x3FDB];
	s0 =	simm.s32 @p2 $0x1  }
0x17: {  	s4 =	simm.s32 $0x1BF5;
	[smem:$0x3FB7] =	sst s0  }
0x18: {  	s0 =	sld [smem:$0x3F9A];
	_ =	swait.ge [sflag:s4], $0x0  }
0x19: {  	s7 =	sld [smem:$0x3F9B]  }
0x1a: {  	s8 =	sadd.s32 $0xFFFFE003, lr  }
0x1b: {  	s9 =	sadd.s32 $0xFFFFFEF7, lr;
	s5 =	simm.s32 $0xFFFFFFFF;
	p2 =	slt.u32 s8, $0xFFFFF086  }
0x1c: {  	p1 =	slt.u32 s9, $0xF7A;
	s5 =	simm.s32 @!p2 $0x0  }
0x1d: {  	s5 =	simm.s32 @p1 $0x1;
	p0 =	seq.s32 s7, s2  }
0x1e: {  	s7 =	smul.u32 @!p0 $0xF7A, s2;
	p2 =	seq.s32 @!p0 s5, $0x0  }
0x1f: {  	s9 =	smul.u32 $0xF7A, s1;
	s8 =	simm.s32 @!p0 $0x1BF5;
	p2 =	por !p2, p0  }
0x20: {  	[sflag:s8] =	ssyncset.s32 @!p0 $0xFFFFF086;
	s6 =	sadd.s32 @!p0 s3, s7;
	s7 =	simm.s32 @!p0 $0x108  }
0x21: {  	s3 =	sadd.s32 s3, s9;
	s6 =	sadd.s32 @!p0 $0x88, s6;
	s7 =	simm.s32 @p2 $0x1082  }
0x22: {  	[simem:s7], [sflag:s8] =	dma.local @!p0 [hbm:s6], $0xF7A  }
0x23: {  	s9 =	sor.u32 $0xD0000000, s2;
	s6 =	simm.s32 $0x108;
	_ =	swait.ge @!p0 [sflag:s8], $0x0  }
0x24: {  	s3 =	sadd.s32 $0x88, s3;
	s6 =	simm.s32 @!p1 $0x1082;
	[sflag:s4] =	ssyncset.s32 $0xFFFFF086  }
0x25: {  	[simem:s6], [sflag:s4] =	dma.local [hbm:s3], $0xF7A  }
0x26: {  	[smem:$0x3F9B] =	sst s1;
	(tag) =	ssettag s2;
	_ =	strace s9  }
0x27: {  	s1 =	sld [smem:$0x3FAB]  }
0x28: {  	s2 =	sld [smem:$0x3FAC]  }
0x29: {  	s4 =	sld [smem:$0x3FAE]  }
0x2a: {  	p0 =	seq.s32 s5, $0x0;
	s5 =	sld [smem:$0x3FAF]  }
0x2b: {  	s6 =	sld [smem:$0x3FB0]  }
0x2c: {  	s7 =	sld [smem:$0x3FB1]  }
0x2d: {  	s3 =	simm.s32 $0x108;
	s8 =	sld [smem:$0x3FB2]  }
0x2e: {  	s3 =	simm.s32 @!p0 $0x1082;
	s9 =	sld [smem:$0x3FB3]  }
0x2f: {  	lr =	sadd.s32 s0, s3;
	s0 =	sld [smem:$0x3FAA]  }
0x30: {  	s3 =	sld [smem:$0x3FAD]  }
0x31: {  	[smem:$0x3FB6] =	sst s10  }
0x32: {  	s10 =	sld [smem:$0x3FB4];
	_ =	sdelay $0x3  }
0x33: {  	p0 =	seq.s32 s10, $0x1;
	s10 =	sld [smem:$0x3FB6];
	_ =	sdelay $0x3  }
0x34: {  	[smem:$0x3FB6] =	sst s10  }
0x35: {  	s10 =	sld [smem:$0x3FB5];
	_ =	sdelay $0x3  }
0x36: {  	p1 =	seq.s32 s10, $0x1;
	s10 =	sld [smem:$0x3FB6];
	_ =	sdelay $0x3  }
0x37: {  	[smem:$0x3FB6] =	sst s10  }
0x38: {  	s10 =	sld [smem:$0x3FB7]  }
0x39: {  	_ = 	snop;
	(pc) =	sbr.ind lr, $3  }
0x3a: {  	_ = 	snop  }
0x3b: {  	_ = 	snop  }
0x3c: {  	p2 =	seq.s32 s10, $0x1;
	s10 =	sld [smem:$0x3FB6]  }
0x3d: {  	_ =	shalt  }
0x3e: {  	_ =	shalt  }
0x3f: {  	_ =	shalt  }
0x40: {  	_ =	shalt  }
0x41: {  	_ =	shalt  }
0x42: {  	_ =	shalt  }
0x43: {  	_ =	shalt  }
0x44: {  	_ =	shalt  }
0x45: {  	_ =	shalt  }
0x46: {  	_ =	shalt  }
0x47: {  	_ =	shalt  }
0x48: {  	_ =	shalt  }
0x49: {  	_ =	shalt  }
0x4a: {  	_ =	shalt  }
0x4b: {  	_ =	shalt  }
0x4c: {  	_ =	shalt  }
0x4d: {  	_ =	shalt  }
0x4e: {  	_ =	shalt  }
0x4f: {  	_ =	shalt  }
0x50: {  	_ =	shalt  }
0x51: {  	_ =	shalt  }
0x52: {  	_ =	shalt  }
0x53: {  	_ =	shalt  }
0x54: {  	_ =	shalt  }
0x55: {  	_ =	shalt  }
0x56: {  	_ =	shalt  }
0x57: {  	_ =	shalt  }
0x58: {  	_ =	shalt  }
0x59: {  	_ =	shalt  }
0x5a: {  	_ =	shalt  }
0x5b: {  	_ =	shalt  }
0x5c: {  	_ =	shalt  }
0x5d: {  	_ =	shalt  }
0x5e: {  	_ =	shalt  }
0x5f: {  	_ =	shalt  }
0x60: {  	_ =	shalt  }
0x61: {  	_ =	shalt  }
0x62: {  	_ =	shalt  }
0x63: {  	_ =	shalt  }
0x64: {  	_ =	shalt  }
0x65: {  	_ =	shalt  }
0x66: {  	_ =	shalt  }
0x67: {  	_ =	shalt  }
0x68: {  	_ =	shalt  }
0x69: {  	_ =	shalt  }
0x6a: {  	_ =	shalt  }
0x6b: {  	_ =	shalt  }
0x6c: {  	_ =	shalt  }
0x6d: {  	_ =	shalt  }
0x6e: {  	_ =	shalt  }
0x6f: {  	_ =	shalt  }
0x70: {  	_ =	shalt  }
0x71: {  	_ =	shalt  }
0x72: {  	_ =	shalt  }
0x73: {  	_ =	shalt  }
0x74: {  	_ =	shalt  }
0x75: {  	_ =	shalt  }
0x76: {  	_ =	shalt  }
0x77: {  	_ =	shalt  }
0x78: {  	_ =	shalt  }
0x79: {  	_ =	shalt  }
0x7a: {  	_ =	shalt  }
0x7b: {  	_ =	shalt  }
0x7c: {  	_ =	shalt  }
0x7d: {  	_ =	shalt  }
0x7e: {  	_ =	shalt  }
0x7f: {  	_ =	shalt  }
0x80: {  	_ =	shalt  }
0x81: {  	_ =	shalt  }
0x82: {  	_ =	shalt  }
0x83: {  	_ =	shalt  }
0x84: {  	_ =	shalt  }
0x85: {  	_ =	shalt  }
0x86: {  	_ =	shalt  }
0x87: {  	_ =	shalt  }
.Lfunc_end0:
.L_simem_size_0:
called_computation_lowered:
.L_overlay_start_0:
0x88: {  	s2 =	sld [smem:$0x3FD9]  }
0x89: {  	s3 =	sld [smem:$0x3FFE];
	_ =	sdelay $0x1  }
0x8a: {  	s1 =	srdreg.scid  }
0x8b: {  	s0 =	sand.u32 $0x1, s1  }
0x8c: {  	s17 =	sshll.u32 s0, $0xA;
	s2 =	sadd.s32 s3, s2  }
0x8d: {  	s2 =	sadd.s32 s2, s17  }
0x8e: {  	[smem:$0x3FC2] =	sst s2  }
0x8f: {  	_ = 	snop  }
0x90: {  	s2 =	sld [smem:$0x3FC9];
	(tm) =	ssettm $0x1  }
0x91: {  	s18 =	sld [smem:$0x3FFB];
	_ =	sdelay $0x3  }
0x92: {  	_ =	strace s18  }
0x93: {  	s3 =	sld [smem:$0x3FFC];
	_ =	sdelay $0x3  }
0x94: {  	_ =	strace s3  }
0x95: {  	s3 =	sld [smem:$0x3FFD];
	_ =	sdelay $0x3  }
0x96: {  	_ =	strace s3  }
0x97: {  	_ =	strace $0x8FFFFFFF  }
0x98: {  	s19 =	sld [smem:$0x3FDB];
	_ =	sdelay $0x1  }
0x99: {  	s4 =	simm.s32 $_scs_section_size  }
0x9a: {  	s5 =	simm.s32 $_size__tile_overlayer_lowered;
	s6 =	simm.s32 $_tile_overlayer_lowered  }
0x9b: {  	s22 =	simm.s32 $0x1BFF;
	s21 =	sshll.u32 s6, $0x1;
	s3 =	sadd.s32 s4, s19  }
0x9c: {  	s7 =	simm.s32 $0x0;
	s20 =	sshll.u32 s5, $0x1;
	s5 =	sadd.s32 s21, s3  }
0x9d: {  	[timem:s7], [sflag:s22] =	dma.local [hbm:s5], s20  }
0x9e: {  	_ =	swait.ge [sflag:s22], s20  }
0x9f: {  	s4 =	ssub.s32 $0x0, s20;
	[sflag:s22] =	ssyncset.done $0x0  }
0xa0: {  	[sflag:s22] =	ssyncadd.s32 s4;
	_ =	sdelay $0x1  }
0xa1: {  	s23 =	simm.s32 $0x1B8B  }
0xa2: {  	_ =	swait.ge [sflag:s23], $0x1  }
0xa3: {  	[sflag:s23] =	ssyncset.done $0x0  }
0xa4: {  	s25 =	simm.s32 $0x1B8E;
	s24 =	sld [smem:$0x3FFE];
	[sflag:s23] =	ssyncadd.s32 $0xFFFFFFFF  }
0xa5: {  	s26 =	simm.s32 $execute0_lowered;
	[smem:$0x3FD2] =	sst s25  }
0xa6: {  	s5 =	sshll.u32 s26, $0x1;
	_ =	strace $0x80000046;
	[dreg:$0x1] =	wrdreg $0xFFFFFFFF  }
0xa7: {  	s28 =	simm.s32 $_size_execute0_lowered;
	s3 =	sadd.s32 s3, s5;
	[dreg:$0x0] =	wrdreg $0x0  }
0xa8: {  	s5 =	sshll.u32 s28, $0x1;
	[dreg:$0x2] =	wrdreg s3  }
0xa9: {  	[dreg:$0x3] =	wrdreg s5  }
0xaa: {  	[dreg:$0x4] =	wrdreg $0xC0  }
0xab: {  	_ =	task [dreg:s7], $0x5FFFF  }
0xac: {  	[dreg:$0x1] =	wrdreg $0xFFFFFFFF  }
0xad: {  	[dreg:$0x0] =	wrdreg $0x60  }
0xae: {  	[dreg:$0x2] =	wrdreg s2  }
0xaf: {  	[dreg:$0x3] =	wrdreg s24  }
0xb0: {  	[dreg:$0x4] =	wrdreg $0x9  }
0xb1: {  	_ =	task.clear_ibuf [dreg:s7], $0x5FFFF;
	_ =	strace $0x90000046  }
0xb2: {  	s29 =	simm.s32 $0x9;
	_ =	strace $0x80000048  }
0xb3: {  	_ =	swait.ge [sflag:s29], $0x1  }
0xb4: {  	[sflag:s29] =	ssyncadd.s32 $0xFFFFFFFF  }
0xb5: {  	_ =	strace $0x90000048  }
0xb6: {  	_ =	sfence  }
0xb7: {  	s30 =	sld [smem:$0x0];
	_ =	sdelay $0x2  }
0xb8: {  	s31 =	sshll.u32 s1, $0xD;
	s1 =	sshrl.u32 s1, $0x2  }
0xb9: {  	s3 =	sand.u32 $0x4000, s31;
	s1 =	sadd.s32 s1, s30  }
0xba: {  	s0 =	sor.u32 s3, s0;
	s1 =	sshll.u32 s1, $0x11  }
0xbb: {  	s0 =	sor.u32 s1, s0  }
0xbc: {  	s0 =	sadd.s32 $0x8F2B, s0  }
0xbd: {  	[sflag:s0] =	ssyncadd.remote.s32 $0x1  }
0xbe: {  	_ =	sfence.sel $0xFFFF  }
0xbf: {  	[dreg:$0x0] =	wrdreg $0xFFFFFFFF;
	(pc) =	sbr.abs _section_cstart, $3  }
0xc0: {  	[dreg:$0x1] =	wrdreg $0xFFFFFFFF  }
0xc1: {  	_ =	task.clear_ibuf [dreg:s7], $0x2FFFF;
	_ =	strace $0x9FFFFFFF  }
0xc2: {  	(tm) =	ssettm $0x7FFFFFFF  }
0xc3: {  	_ =	shalt  }
tec
execute0_lowered:
.L_overlay_start_1:
0x0: {  	(tag) =	ssettag $0x1  }
0x1: {  	s0 =	rddreg [dreg:$0x0]  }
0x2: {  	s1 =	rddreg [dreg:$0x1];
	s2 =	simm.s32 $0x0  }
0x3: {  	s3 =	srdreg.scid;
	s9 =	stileid.u32;
	s16 =	simm.s32 $0x8000  }
0x4: {  	s14 =	simm.s32 $0x1;
	s13 =	simm.s32 $0x0;
	s19 =	simm.s32 $0xF800  }
0x5: {  	[smem:$0x7FF] =	sst s2;
	s4 =	sand.u32 $0x1, s3;
	s26 =	sshll.u32 s9, $0x8  }
0x6: {  	s8 =	sadd.s32 $0x13500, s1;
	s10 =	sshll.u32 s9, $0x10;
	s9 =	sadd.s32 $0x13600, s1  }
0x7: {  	s11 =	sadd.s32 $0x13800, s1;
	s12 =	sadd.s32 $0x13900, s1;
	s5 =	sshll.u32 s4, $0x7  }
0x8: {  	s6 =	ssub.s32 $0x2, s4;
	_ =	strace $0x80000047;
	s0 =	sadd.s32 s10, s0  }
0x9: {  	s4 =	sshll.u32 s4, $0xF;
	s10 =	sadd.s32 $0x13700, s1;
	s3 =	sor.u32 s5, s26  }
0xa: {  	s28 =	sshrl.u32 s6, $0x1;
	s0 =	sadd.s32 s4, s0;
	s4 =	simm.s32 $0x2  }
0xb: {  	s7 =	sadd.s32 s3, s1;
	s3 =	sadd.s32 $0x13200, s1;
	s0 =	sadd.s32 $0x1000, s0  }
0xc: {  	s5 =	ssub.s32 s6, s28;
	s29 =	sadd.s32 $0x11200, s7;
	[dreg:$0x6] =	wrdreg s0  }
0xd: {  	v2 =	vlaneseq.u32;
	s6 =	sadd.s32 $0x13300, s1;
	s30 =	sadd.s32 $0x12200, s7;
	[dreg:$0x3] =	wrdreg s29  }
0xe: {  	vm0 =	vmmov $0xffff;
	v1 =	vshrl.u32 v2, $0x3;
	s7 =	sadd.s32 $0x13400, s1;
	s31 =	smax.u32 s5, $0x1;
	[dreg:$0x4] =	wrdreg s30  }
0xf: {  	v0 =	vand.u32 $0x7, v2;
	v2 =	vor.u32 $0x8, v2;
	v1 =	vmul.u32 $0x8, v1;
	s0 =	simm.s32 $0x3;
	s1 =	simm.s32 $0x4;
	[dreg:$0x5] =	wrdreg s31  }
.LBB2_1:
0x10: {  	[dreg:$0x7] =	wrdreg s13  }
0x11: {  	s5 =	rddreg [dreg:$0x3];
	s15 =	simm.s32 $0x10000;
	s30 =	simm.s32 $0x5  }
0x12: {  	[tilespmem:s15], [sflag:$0x5] =	stream.linear.gather [hbm4b:s5+s2], $0x400, $0x38;
	[tilespmem:$0x10800] =	vst v63  }
0x13: {  	_ =	swait.ge [sflag:s30], $0x400  }
0x14: {  	[sflag:s30] =	ssyncset.done $0x0  }
0x15: {  	s17 =	simm.s32 $0x10400;
	s31 =	rddreg [dreg:$0x4];
	[sflag:s30] =	ssyncadd.s32 $0xFFFFFC00  }
0x16: {  	[tilespmem:s17], [sflag:$0x5] =	stream.linear.gather [hbm4b:s31+s2], $0x400, $0x38;
	[tilespmem:$0x10800] =	vst v63  }
0x17: {  	_ =	swait.ge [sflag:s30], $0x400  }
0x18: {  	[sflag:s30] =	ssyncset.done $0x0  }
0x19: {  	s17 =	simm.s32 $0x0;
	s15 =	rddreg [dreg:$0x6];
	[sflag:s30] =	ssyncadd.s32 $0xFFFFFC00  }
.LBB2_2:
0x1a: {  	s5 =	sadd.s32 $0xFFFFF000, s15  }
0x1b: {  	[tilespmem:s2], [sflag:$0x1] =	stream.linear.gather [hbm4b:s5+s2], $0x8000, $0x38;
	[tilespmem:$0x10800] =	vst v63  }
0x1c: {  	_ = 	snop  }
0x1d: {  	[tilespmem:s16], [sflag:$0x2] =	stream.linear.gather [hbm4b:s15+s2], $0x8000, $0x38;
	[tilespmem:$0x10800] =	vst v63  }
0x1e: {  	_ =	swait.ge [sflag:s14], $0x8000  }
0x1f: {  	[sflag:s14] =	ssyncset.done $0x0  }
0x20: {  	s5 =	sshra.s32 s17, $0x2;
	[sflag:s14] =	ssyncadd.s32 $0xFFFF8000  }
0x21: {  	v3 =	vld [tilespmem:s5+$0x10000];
	_ =	sdelay $0x4  }
0x22: {  	v4 =	vshll.u32 v3, $0x4  }
0x23: {  	v3 =	vand.u32 $0x7, v3;
	v4 =	vand.u32 $0xFFFFFF80, v4  }
0x24: {  	v3 =	vor.u32 v3, v4  }
0x25: {  	v4 =	vperm.xlane v3, v0;
	_ =	sdelay $0x1  }
0x26: {  	v4 =	vadd.s32 v1, v4;
	_ =	sdelay $0x4  }
0x27: {  	[hbm4b:s3+s2] =	stream.indirect_vreg.scatter [tilespmem:s2], [sflag:$0x3], $0x80, v4, vm0, $0xb8;
	[tilespmem:$0x10800] =	vst v63  }
0x28: {  	s16 =	simm.s32 $0x800  }
0x29: {  	[hbm4b:s6+s2] =	stream.indirect_vreg.scatter [tilespmem:s16], [sflag:$0x3], $0x80, v4, vm0, $0xb8;
	[tilespmem:$0x10800] =	vst v63  }
0x2a: {  	s20 =	simm.s32 $0x1000  }
0x2b: {  	[hbm4b:s7+s2] =	stream.indirect_vreg.scatter [tilespmem:s20], [sflag:$0x3], $0x80, v4, vm0, $0xb8;
	[tilespmem:$0x10800] =	vst v63  }
0x2c: {  	s21 =	simm.s32 $0x1800  }
0x2d: {  	[hbm4b:s8+s2] =	stream.indirect_vreg.scatter [tilespmem:s21], [sflag:$0x3], $0x80, v4, vm0, $0xb8;
	[tilespmem:$0x10800] =	vst v63  }
0x2e: {  	s22 =	simm.s32 $0x2000  }
0x2f: {  	[hbm4b:s9+s2] =	stream.indirect_vreg.scatter [tilespmem:s22], [sflag:$0x3], $0x80, v4, vm0, $0xb8;
	[tilespmem:$0x10800] =	vst v63  }
0x30: {  	s23 =	simm.s32 $0x2800;
	v3 =	vperm.xlane v3, v2  }
0x31: {  	[hbm4b:s10+s2] =	stream.indirect_vreg.scatter [tilespmem:s23], [sflag:$0x3], $0x80, v4, vm0, $0xb8;
	[tilespmem:$0x10800] =	vst v63  }
0x32: {  	s24 =	simm.s32 $0x3000;
	v3 =	vadd.s32 v1, v3  }
0x33: {  	[hbm4b:s11+s2] =	stream.indirect_vreg.scatter [tilespmem:s24], [sflag:$0x3], $0x80, v4, vm0, $0xb8;
	[tilespmem:$0x10800] =	vst v63  }
0x34: {  	s25 =	simm.s32 $0x3800  }
0x35: {  	[hbm4b:s12+s2] =	stream.indirect_vreg.scatter [tilespmem:s25], [sflag:$0x3], $0x80, v4, vm0, $0xb8;
	[tilespmem:$0x10800] =	vst v63  }
0x36: {  	s26 =	simm.s32 $0x4000  }
0x37: {  	[hbm4b:s3+s2] =	stream.indirect_vreg.scatter [tilespmem:s26], [sflag:$0x3], $0x80, v3, vm0, $0xb8;
	[tilespmem:$0x10800] =	vst v63  }
0x38: {  	s28 =	simm.s32 $0x4800  }
0x39: {  	[hbm4b:s6+s2] =	stream.indirect_vreg.scatter [tilespmem:s28], [sflag:$0x3], $0x80, v3, vm0, $0xb8;
	[tilespmem:$0x10800] =	vst v63  }
0x3a: {  	s29 =	simm.s32 $0x5000  }
0x3b: {  	[hbm4b:s7+s2] =	stream.indirect_vreg.scatter [tilespmem:s29], [sflag:$0x3], $0x80, v3, vm0, $0xb8;
	[tilespmem:$0x10800] =	vst v63  }
0x3c: {  	s30 =	simm.s32 $0x5800  }
0x3d: {  	[hbm4b:s8+s2] =	stream.indirect_vreg.scatter [tilespmem:s30], [sflag:$0x3], $0x80, v3, vm0, $0xb8;
	[tilespmem:$0x10800] =	vst v63  }
0x3e: {  	s31 =	simm.s32 $0x6000  }
0x3f: {  	[hbm4b:s9+s2] =	stream.indirect_vreg.scatter [tilespmem:s31], [sflag:$0x3], $0x80, v3, vm0, $0xb8;
	[tilespmem:$0x10800] =	vst v63  }
0x40: {  	s13 =	simm.s32 $0x6800  }
0x41: {  	[hbm4b:s10+s2] =	stream.indirect_vreg.scatter [tilespmem:s13], [sflag:$0x3], $0x80, v3, vm0, $0xb8;
	[tilespmem:$0x10800] =	vst v63  }
0x42: {  	s18 =	simm.s32 $0x7000  }
0x43: {  	[hbm4b:s11+s2] =	stream.indirect_vreg.scatter [tilespmem:s18], [sflag:$0x3], $0x80, v3, vm0, $0xb8;
	[tilespmem:$0x10800] =	vst v63  }
0x44: {  	s14 =	simm.s32 $0x7800  }
0x45: {  	[hbm4b:s12+s2] =	stream.indirect_vreg.scatter [tilespmem:s14], [sflag:$0x3], $0x80, v3, vm0, $0xb8;
	[tilespmem:$0x10800] =	vst v63  }
0x46: {  	v3 =	vld [tilespmem:s5+$0x10400];
	_ =	sdelay $0x4  }
0x47: {  	v61 =	vshll.u32 v3, $0x4  }
0x48: {  	v3 =	vand.u32 $0x7, v3;
	v4 =	vand.u32 $0xFFFFFF80, v61  }
0x49: {  	v3 =	vor.u32 v3, v4  }
0x4a: {  	v4 =	vperm.xlane v3, v0;
	_ =	sdelay $0x1  }
0x4b: {  	v4 =	vadd.s32 v1, v4;
	_ =	sdelay $0x4  }
0x4c: {  	[hbm4b:s3+s2] =	stream.indirect_vreg.scatter [tilespmem:s2], [sflag:$0x3], $0x80, v4, vm0, $0xb8;
	[tilespmem:$0x10800] =	vst v63  }
0x4d: {  	_ = 	snop  }
0x4e: {  	[hbm4b:s6+s2] =	stream.indirect_vreg.scatter [tilespmem:s16], [sflag:$0x3], $0x80, v4, vm0, $0xb8;
	[tilespmem:$0x10800] =	vst v63  }
0x4f: {  	_ = 	snop  }
0x50: {  	[hbm4b:s7+s2] =	stream.indirect_vreg.scatter [tilespmem:s20], [sflag:$0x3], $0x80, v4, vm0, $0xb8;
	[tilespmem:$0x10800] =	vst v63  }
0x51: {  	_ = 	snop  }
0x52: {  	[hbm4b:s8+s2] =	stream.indirect_vreg.scatter [tilespmem:s21], [sflag:$0x3], $0x80, v4, vm0, $0xb8;
	[tilespmem:$0x10800] =	vst v63  }
0x53: {  	_ = 	snop  }
0x54: {  	[hbm4b:s9+s2] =	stream.indirect_vreg.scatter [tilespmem:s22], [sflag:$0x3], $0x80, v4, vm0, $0xb8;
	[tilespmem:$0x10800] =	vst v63  }
0x55: {  	v3 =	vperm.xlane v3, v2  }
0x56: {  	[hbm4b:s10+s2] =	stream.indirect_vreg.scatter [tilespmem:s23], [sflag:$0x3], $0x80, v4, vm0, $0xb8;
	[tilespmem:$0x10800] =	vst v63  }
0x57: {  	v3 =	vadd.s32 v1, v3  }
0x58: {  	[hbm4b:s11+s2] =	stream.indirect_vreg.scatter [tilespmem:s24], [sflag:$0x3], $0x80, v4, vm0, $0xb8;
	[tilespmem:$0x10800] =	vst v63  }
0x59: {  	_ = 	snop  }
0x5a: {  	[hbm4b:s12+s2] =	stream.indirect_vreg.scatter [tilespmem:s25], [sflag:$0x3], $0x80, v4, vm0, $0xb8;
	[tilespmem:$0x10800] =	vst v63  }
0x5b: {  	_ = 	snop  }
0x5c: {  	[hbm4b:s3+s2] =	stream.indirect_vreg.scatter [tilespmem:s26], [sflag:$0x3], $0x80, v3, vm0, $0xb8;
	[tilespmem:$0x10800] =	vst v63  }
0x5d: {  	_ = 	snop  }
0x5e: {  	[hbm4b:s6+s2] =	stream.indirect_vreg.scatter [tilespmem:s28], [sflag:$0x3], $0x80, v3, vm0, $0xb8;
	[tilespmem:$0x10800] =	vst v63  }
0x5f: {  	_ = 	snop  }
0x60: {  	[hbm4b:s7+s2] =	stream.indirect_vreg.scatter [tilespmem:s29], [sflag:$0x3], $0x80, v3, vm0, $0xb8;
	[tilespmem:$0x10800] =	vst v63  }
0x61: {  	_ = 	snop  }
0x62: {  	[hbm4b:s8+s2] =	stream.indirect_vreg.scatter [tilespmem:s30], [sflag:$0x3], $0x80, v3, vm0, $0xb8;
	[tilespmem:$0x10800] =	vst v63  }
0x63: {  	_ = 	snop  }
0x64: {  	[hbm4b:s9+s2] =	stream.indirect_vreg.scatter [tilespmem:s31], [sflag:$0x3], $0x80, v3, vm0, $0xb8;
	[tilespmem:$0x10800] =	vst v63  }
0x65: {  	_ = 	snop  }
0x66: {  	[hbm4b:s10+s2] =	stream.indirect_vreg.scatter [tilespmem:s13], [sflag:$0x3], $0x80, v3, vm0, $0xb8;
	[tilespmem:$0x10800] =	vst v63  }
0x67: {  	_ = 	snop  }
0x68: {  	[hbm4b:s11+s2] =	stream.indirect_vreg.scatter [tilespmem:s18], [sflag:$0x3], $0x80, v3, vm0, $0xb8;
	[tilespmem:$0x10800] =	vst v63  }
0x69: {  	_ = 	snop  }
0x6a: {  	[hbm4b:s12+s2] =	stream.indirect_vreg.scatter [tilespmem:s14], [sflag:$0x3], $0x80, v3, vm0, $0xb8;
	[tilespmem:$0x10800] =	vst v63  }
0x6b: {  	_ =	swait.ge [sflag:s4], $0x8000  }
0x6c: {  	[sflag:s4] =	ssyncset.done $0x0  }
0x6d: {  	[sflag:s4] =	ssyncadd.s32 $0xFFFF8000  }
0x6e: {  	v3 =	vld [tilespmem:s5+$0x10080];
	_ =	sdelay $0x4  }
0x6f: {  	v62 =	vshll.u32 v3, $0x4  }
0x70: {  	v3 =	vand.u32 $0x7, v3;
	v4 =	vand.u32 $0xFFFFFF80, v62  }
0x71: {  	v3 =	vor.u32 v3, v4  }
0x72: {  	v4 =	vperm.xlane v3, v0;
	_ =	sdelay $0x1  }
0x73: {  	v4 =	vadd.s32 v1, v4;
	_ =	sdelay $0x3  }
0x74: {  	s16 =	simm.s32 $0x8000  }
0x75: {  	[hbm4b:s3+s2] =	stream.indirect_vreg.scatter [tilespmem:s16], [sflag:$0x4], $0x80, v4, vm0, $0xb8;
	[tilespmem:$0x10800] =	vst v63  }
0x76: {  	s13 =	simm.s32 $0x8800  }
0x77: {  	[hbm4b:s6+s2] =	stream.indirect_vreg.scatter [tilespmem:s13], [sflag:$0x4], $0x80, v4, vm0, $0xb8;
	[tilespmem:$0x10800] =	vst v63  }
0x78: {  	s14 =	simm.s32 $0x9000  }
0x79: {  	[hbm4b:s7+s2] =	stream.indirect_vreg.scatter [tilespmem:s14], [sflag:$0x4], $0x80, v4, vm0, $0xb8;
	[tilespmem:$0x10800] =	vst v63  }
0x7a: {  	s18 =	simm.s32 $0x9800  }
0x7b: {  	[hbm4b:s8+s2] =	stream.indirect_vreg.scatter [tilespmem:s18], [sflag:$0x4], $0x80, v4, vm0, $0xb8;
	[tilespmem:$0x10800] =	vst v63  }
0x7c: {  	s20 =	simm.s32 $0xA000  }
0x7d: {  	[hbm4b:s9+s2] =	stream.indirect_vreg.scatter [tilespmem:s20], [sflag:$0x4], $0x80, v4, vm0, $0xb8;
	[tilespmem:$0x10800] =	vst v63  }
0x7e: {  	s21 =	simm.s32 $0xA800;
	v3 =	vperm.xlane v3, v2  }
0x7f: {  	[hbm4b:s10+s2] =	stream.indirect_vreg.scatter [tilespmem:s21], [sflag:$0x4], $0x80, v4, vm0, $0xb8;
	[tilespmem:$0x10800] =	vst v63  }
0x80: {  	s22 =	simm.s32 $0xB000;
	v3 =	vadd.s32 v1, v3  }
0x81: {  	[hbm4b:s11+s2] =	stream.indirect_vreg.scatter [tilespmem:s22], [sflag:$0x4], $0x80, v4, vm0, $0xb8;
	[tilespmem:$0x10800] =	vst v63  }
0x82: {  	s23 =	simm.s32 $0xB800  }
0x83: {  	[hbm4b:s12+s2] =	stream.indirect_vreg.scatter [tilespmem:s23], [sflag:$0x4], $0x80, v4, vm0, $0xb8;
	[tilespmem:$0x10800] =	vst v63  }
0x84: {  	s24 =	simm.s32 $0xC000  }
0x85: {  	[hbm4b:s3+s2] =	stream.indirect_vreg.scatter [tilespmem:s24], [sflag:$0x4], $0x80, v3, vm0, $0xb8;
	[tilespmem:$0x10800] =	vst v63  }
0x86: {  	s25 =	simm.s32 $0xC800  }
0x87: {  	[hbm4b:s6+s2] =	stream.indirect_vreg.scatter [tilespmem:s25], [sflag:$0x4], $0x80, v3, vm0, $0xb8;
	[tilespmem:$0x10800] =	vst v63  }
0x88: {  	s26 =	simm.s32 $0xD000  }
0x89: {  	[hbm4b:s7+s2] =	stream.indirect_vreg.scatter [tilespmem:s26], [sflag:$0x4], $0x80, v3, vm0, $0xb8;
	[tilespmem:$0x10800] =	vst v63  }
0x8a: {  	s28 =	simm.s32 $0xD800  }
0x8b: {  	[hbm4b:s8+s2] =	stream.indirect_vreg.scatter [tilespmem:s28], [sflag:$0x4], $0x80, v3, vm0, $0xb8;
	[tilespmem:$0x10800] =	vst v63  }
0x8c: {  	s29 =	simm.s32 $0xE000  }
0x8d: {  	[hbm4b:s9+s2] =	stream.indirect_vreg.scatter [tilespmem:s29], [sflag:$0x4], $0x80, v3, vm0, $0xb8;
	[tilespmem:$0x10800] =	vst v63  }
0x8e: {  	s30 =	simm.s32 $0xE800  }
0x8f: {  	[hbm4b:s10+s2] =	stream.indirect_vreg.scatter [tilespmem:s30], [sflag:$0x4], $0x80, v3, vm0, $0xb8;
	[tilespmem:$0x10800] =	vst v63  }
0x90: {  	s31 =	simm.s32 $0xF000  }
0x91: {  	[hbm4b:s11+s2] =	stream.indirect_vreg.scatter [tilespmem:s31], [sflag:$0x4], $0x80, v3, vm0, $0xb8;
	[tilespmem:$0x10800] =	vst v63  }
0x92: {  	_ = 	snop  }
0x93: {  	[hbm4b:s12+s2] =	stream.indirect_vreg.scatter [tilespmem:s19], [sflag:$0x4], $0x80, v3, vm0, $0xb8;
	[tilespmem:$0x10800] =	vst v63  }
0x94: {  	v3 =	vld [tilespmem:s5+$0x10480];
	_ =	sdelay $0x4  }
0x95: {  	v63 =	vshll.u32 v3, $0x4  }
0x96: {  	v3 =	vand.u32 $0x7, v3;
	v4 =	vand.u32 $0xFFFFFF80, v63  }
0x97: {  	v3 =	vor.u32 v3, v4  }
0x98: {  	v4 =	vperm.xlane v3, v0;
	_ =	sdelay $0x1  }
0x99: {  	v4 =	vadd.s32 v1, v4;
	_ =	sdelay $0x4  }
0x9a: {  	[hbm4b:s3+s2] =	stream.indirect_vreg.scatter [tilespmem:s16], [sflag:$0x4], $0x80, v4, vm0, $0xb8;
	[tilespmem:$0x10800] =	vst v63  }
0x9b: {  	_ = 	snop  }
0x9c: {  	[hbm4b:s6+s2] =	stream.indirect_vreg.scatter [tilespmem:s13], [sflag:$0x4], $0x80, v4, vm0, $0xb8;
	[tilespmem:$0x10800] =	vst v63  }
0x9d: {  	_ = 	snop  }
0x9e: {  	[hbm4b:s7+s2] =	stream.indirect_vreg.scatter [tilespmem:s14], [sflag:$0x4], $0x80, v4, vm0, $0xb8;
	[tilespmem:$0x10800] =	vst v63  }
0x9f: {  	_ = 	snop  }
0xa0: {  	[hbm4b:s8+s2] =	stream.indirect_vreg.scatter [tilespmem:s18], [sflag:$0x4], $0x80, v4, vm0, $0xb8;
	[tilespmem:$0x10800] =	vst v63  }
0xa1: {  	_ = 	snop  }
0xa2: {  	[hbm4b:s9+s2] =	stream.indirect_vreg.scatter [tilespmem:s20], [sflag:$0x4], $0x80, v4, vm0, $0xb8;
	[tilespmem:$0x10800] =	vst v63  }
0xa3: {  	v3 =	vperm.xlane v3, v2  }
0xa4: {  	[hbm4b:s10+s2] =	stream.indirect_vreg.scatter [tilespmem:s21], [sflag:$0x4], $0x80, v4, vm0, $0xb8;
	[tilespmem:$0x10800] =	vst v63  }
0xa5: {  	v3 =	vadd.s32 v1, v3  }
0xa6: {  	[hbm4b:s11+s2] =	stream.indirect_vreg.scatter [tilespmem:s22], [sflag:$0x4], $0x80, v4, vm0, $0xb8;
	[tilespmem:$0x10800] =	vst v63  }
0xa7: {  	_ = 	snop  }
0xa8: {  	[hbm4b:s12+s2] =	stream.indirect_vreg.scatter [tilespmem:s23], [sflag:$0x4], $0x80, v4, vm0, $0xb8;
	[tilespmem:$0x10800] =	vst v63  }
0xa9: {  	_ = 	snop  }
0xaa: {  	[hbm4b:s3+s2] =	stream.indirect_vreg.scatter [tilespmem:s24], [sflag:$0x4], $0x80, v3, vm0, $0xb8;
	[tilespmem:$0x10800] =	vst v63  }
0xab: {  	_ = 	snop  }
0xac: {  	[hbm4b:s6+s2] =	stream.indirect_vreg.scatter [tilespmem:s25], [sflag:$0x4], $0x80, v3, vm0, $0xb8;
	[tilespmem:$0x10800] =	vst v63  }
0xad: {  	_ = 	snop  }
0xae: {  	[hbm4b:s7+s2] =	stream.indirect_vreg.scatter [tilespmem:s26], [sflag:$0x4], $0x80, v3, vm0, $0xb8;
	[tilespmem:$0x10800] =	vst v63  }
0xaf: {  	_ = 	snop  }
0xb0: {  	[hbm4b:s8+s2] =	stream.indirect_vreg.scatter [tilespmem:s28], [sflag:$0x4], $0x80, v3, vm0, $0xb8;
	[tilespmem:$0x10800] =	vst v63  }
0xb1: {  	_ = 	snop  }
0xb2: {  	[hbm4b:s9+s2] =	stream.indirect_vreg.scatter [tilespmem:s29], [sflag:$0x4], $0x80, v3, vm0, $0xb8;
	[tilespmem:$0x10800] =	vst v63  }
0xb3: {  	_ = 	snop  }
0xb4: {  	[hbm4b:s10+s2] =	stream.indirect_vreg.scatter [tilespmem:s30], [sflag:$0x4], $0x80, v3, vm0, $0xb8;
	[tilespmem:$0x10800] =	vst v63  }
0xb5: {  	_ = 	snop  }
0xb6: {  	[hbm4b:s11+s2] =	stream.indirect_vreg.scatter [tilespmem:s31], [sflag:$0x4], $0x80, v3, vm0, $0xb8;
	[tilespmem:$0x10800] =	vst v63  }
0xb7: {  	_ = 	snop  }
0xb8: {  	[hbm4b:s12+s2] =	stream.indirect_vreg.scatter [tilespmem:s19], [sflag:$0x4], $0x80, v3, vm0, $0xb8;
	[tilespmem:$0x10800] =	vst v63  }
0xb9: {  	_ =	swait.ge [sflag:s0], $0x8000  }
0xba: {  	[sflag:s0] =	ssyncset.done $0x0  }
0xbb: {  	[sflag:s0] =	ssyncadd.s32 $0xFFFF8000  }
0xbc: {  	_ =	swait.ge [sflag:s0], $0x8000  }
0xbd: {  	[sflag:s0] =	ssyncset.done $0x0  }
0xbe: {  	[sflag:s0] =	ssyncadd.s32 $0xFFFF8000  }
0xbf: {  	p0 =	sne.s32 s17, $0xC00;
	_ =	swait.ge [sflag:s1], $0x8000  }
.Ltmp0:
0xc0: {  	[sflag:s1] =	ssyncset.done $0x0;
	(pc) =	sbr.rel @p0 .LBB2_2-.Ltmp0, $4  }
0xc1: {  	[sflag:s1] =	ssyncadd.s32 $0xFFFF8000  }
0xc2: {  	_ =	swait.ge [sflag:s1], $0x8000  }
0xc3: {  	s17 =	sadd.s32 $0x400, s17;
	[sflag:s1] =	ssyncset.done $0x0  }
0xc4: {  	s15 =	sadd.s32 $0x2000, s15;
	s14 =	simm.s32 $0x1;
	[sflag:s1] =	ssyncadd.s32 $0xFFFF8000  }
0xc5: {  	s13 =	rddreg [dreg:$0x7]  }
0xc6: {  	s5 =	rddreg [dreg:$0x5];
	s13 =	sadd.s32 $0x1, s13  }
0xc7: {  	p0 =	sne.s32 s13, s5  }
.Ltmp1:
0xc8: {  	_ = 	snop;
	(pc) =	sbr.rel @p0 .LBB2_1-.Ltmp1, $1  }
0xc9: {  	_ =	sdelay $0x3  }
0xca: {  	_ =	sfence.sel $0x180000  }
0xcb: {  	[bflag:$0x0] =	sbarrier.arrive $0xFFFF  }
0xcc: {  	_ =	strace $0x90000047  }
0xcd: {  	s0 =	stileid.u32;
	[bflag:$0x2] =	sbarrier.arrive $0xFFFF  }
0xce: {  	p0 =	sne.s32 s0, $0x0;
	s0 =	rddreg [dreg:$0x2]  }
0xcf: {  	s0 =	sadd.s32 @!p0 $0x100000, s0  }
0xd0: {  	[sflag:s0] =	ssyncadd.tile.s32 @!p0 $0x1;
	_ =	shalt  }
.Lfunc_end2:
_tile_overlayer_lowered:
.L_overlay_start_2:
0xd1: {  	(tag) =	ssettag $0x2  }
0xd2: {  	s0 =	rddreg [dreg:$0x0];
	s2 =	stileid.u32  }
0xd3: {  	s1 =	rddreg [dreg:$0x1];
	p0 =	sne.s32 s2, $0x0  }
0xd4: {  	s3 =	rddreg [dreg:$0x2];
	[bflag:$0x3] =	sbarrier.arrive $0xFFFF;
	s2 =	simm.s32 @!p0 $0x1C05  }
0xd5: {  	[timem:s3], [sflag:s2] =	dma.local @!p0 [hbm:s0], s1  }
0xd6: {  	s0 =	simm.s32 @!p0 $0x5  }
0xd7: {  	_ =	swait.ge @!p0 [sflag:s0], s1  }
0xd8: {  	s1 =	ssub.s32 @!p0 $0x0, s1;
	[sflag:s0] =	ssyncset.done @!p0 $0x0  }
0xd9: {  	[sflag:s0] =	ssyncadd.s32 @!p0 s1  }
0xda: {  	[bflag:$0x3] =	sbarrier.arrive $0xFFFF  }
0xdb: {  	_ =	shalt  }

</sc_bundles>
